<compile_context>
chip_gen: v7x
topology: tpu7x:2x2x1
jax: 0.10.2.dev20260603
libtpu: 0.0.44.dev20260713+nightly
codegen_flags: <defaults>
</compile_context>

<pallas_src>
import jax
import jax.numpy as jnp
from jax.experimental import pallas as pl
from jax.experimental.pallas import tpu as pltpu

_K = 8


def _dot(a, b, dims):
    return jax.lax.dot_general(a, b, (dims, ((), ())),
                               preferred_element_type=jnp.float32)


_G = 4


def _gcn_kernel(x_ref, wl_ref, bl_ref, w1_ref, b1_ref, w2_ref, b2_ref,
                g_ref, bt_ref, out_ref):
    for g in range(_G):
        xf = x_ref[g]
        L = xf.shape[0]

        nrm2 = jnp.sum(xf * xf, axis=1, keepdims=True)
        inv = 1.0 / jnp.maximum(jnp.sqrt(nrm2), 1e-12)
        xn = xf * inv
        sim = _dot(xn, xn, ((1,), (1,)))

        s = sim
        for _ in range(_K):
            mx = jnp.max(s, axis=1, keepdims=True)
            s = jnp.where(s >= mx, -jnp.inf, s)
        acc = (s == -jnp.inf).astype(jnp.float32)

        x_agg = _dot(acc, xf, ((1,), (0,))) * (1.0 / _K)
        h = _dot(x_agg, wl_ref[...], ((1,), (1,))) + bl_ref[...]
        mu = jnp.mean(h, axis=1, keepdims=True)
        c = h - mu
        var = jnp.mean(c * c, axis=1, keepdims=True)
        ln = c * jax.lax.rsqrt(var + 1e-5) * g_ref[...] + bt_ref[...]
        m = jnp.maximum(_dot(ln, w1_ref[...], ((1,), (1,))) + b1_ref[...],
                        0.0)
        out_ref[g] = _dot(m, w2_ref[...], ((1,), (1,))) + b2_ref[...]


def kernel(x, W_lin, b_lin, W1, b1, W2, b2, gamma, beta):
    B_, J_, L_, D_ = x.shape
    BJ = B_ * J_
    D_out = W_lin.shape[0]
    xf = x.reshape(BJ, L_, D_)
    full = lambda arr: pl.BlockSpec(arr.shape, lambda b: (0,) * arr.ndim)
    b_lin2 = b_lin.reshape(1, -1)
    b12 = b1.reshape(1, -1)
    b22 = b2.reshape(1, -1)
    g2 = gamma.reshape(1, -1)
    bt2 = beta.reshape(1, -1)
    out = pl.pallas_call(
        _gcn_kernel,
        grid=(BJ // _G,),
        in_specs=[
            pl.BlockSpec((_G, L_, D_), lambda b: (b, 0, 0)),
            full(W_lin), full(b_lin2), full(W1), full(b12),
            full(W2), full(b22), full(g2), full(bt2),
        ],
        out_specs=pl.BlockSpec((_G, L_, D_out), lambda b: (b, 0, 0)),
        out_shape=jax.ShapeDtypeStruct((BJ, L_, D_out), x.dtype),
    )(xf, W_lin, b_lin2, W1, b12, W2, b22, g2, bt2)
    return out.reshape(B_, J_, L_, D_out)

# --- scband reference (transcript-rebuilt; emitter-appended) ---
"""Pipeline reference for scband-temporal-gcn-42734924595843 (READ-ONLY COPY).

The authoritative reference and input builder live on the scoring server;
editing this copy changes nothing except your own understanding.
"""

import jax, jax.numpy as jnp
import numpy as np

K_NEIGHBORS = 8
B, J, L, D_IN, D_OUT = 16, 24, 243, 256, 256

def setup_inputs(seed: int = 0) -> dict:
    key = jax.random.key(seed)
    ks = jax.random.split(key, 8)
    x = jax.random.normal(ks[0], (B, J, L, D_IN), dtype=jnp.float32)
    s_in = 1.0 / np.sqrt(D_IN)
    s_out = 1.0 / np.sqrt(D_OUT)
    s_mid = 1.0 / np.sqrt(2 * D_OUT)
    W_lin = jax.random.uniform(ks[1], (D_OUT, D_IN), minval=-s_in, maxval=s_in, dtype=jnp.float32)
    b_lin = jax.random.uniform(ks[2], (D_OUT,), minval=-s_in, maxval=s_in, dtype=jnp.float32)
    W1 = jax.random.uniform(ks[3], (2 * D_OUT, D_OUT), minval=-s_out, maxval=s_out, dtype=jnp.float32)
    b1 = jax.random.uniform(ks[4], (2 * D_OUT,), minval=-s_out, maxval=s_out, dtype=jnp.float32)
    W2 = jax.random.uniform(ks[5], (D_OUT, 2 * D_OUT), minval=-s_mid, maxval=s_mid, dtype=jnp.float32)
    b2 = jax.random.uniform(ks[6], (D_OUT,), minval=-s_mid, maxval=s_mid, dtype=jnp.float32)
    gamma = jnp.ones((D_OUT,), dtype=jnp.float32)
    beta = jnp.zeros((D_OUT,), dtype=jnp.float32)
    return {"x": x, "W_lin": W_lin, "b_lin": b_lin, "W1": W1, "b1": b1, "W2": W2, "b2": b2, "gamma": gamma, "beta": beta}

def reference(x, W_lin, b_lin, W1, b1, W2, b2, gamma, beta):
    Bq, Jq, Lq, Dq = x.shape
    BJ = Bq * Jq
    xf = x.reshape(BJ, Lq, Dq)
    nrm = jnp.linalg.norm(xf, axis=-1, keepdims=True)
    xn = xf / jnp.maximum(nrm, 1e-12)
    sim = jnp.einsum('bld,bmd->blm', xn, xn)
    k = min(K_NEIGHBORS, Lq)
    _, knn_idx = jax.lax.top_k(sim, k)
    bi = jnp.arange(BJ)[:, None, None]
    li = jnp.arange(Lq)[None, :, None]
    adj = jnp.zeros((BJ, Lq, Lq), dtype=x.dtype).at[bi, li, knn_idx].set(1.0 / k)
    x_agg = jnp.einsum('blm,bmd->bld', adj, xf)
    h = x_agg @ W_lin.T + b_lin
    mu = jnp.mean(h, axis=-1, keepdims=True)
    var = jnp.var(h, axis=-1, keepdims=True)
    ln = (h - mu) / jnp.sqrt(var + 1e-5) * gamma + beta
    m = jnp.maximum(ln @ W1.T + b1, 0.0)
    out = m @ W2.T + b2
    return out.reshape(Bq, Jq, Lq, -1)

if __name__ == "__main__":
    import jax
    _d = setup_inputs()
    print(jax.jit(kernel)(*tuple(_d.values())))

</pallas_src>

<mosaic_0001>
module attributes {stable_mosaic.version = 14 : i64} {
  func.func @_gcn_kernel(%arg0: i32, %arg1: memref<4x243x256xf32, #tpu.memory_space<vmem>>, %arg2: memref<256x256xf32, #tpu.memory_space<vmem>>, %arg3: memref<1x256xf32, #tpu.memory_space<vmem>>, %arg4: memref<512x256xf32, #tpu.memory_space<vmem>>, %arg5: memref<1x512xf32, #tpu.memory_space<vmem>>, %arg6: memref<256x512xf32, #tpu.memory_space<vmem>>, %arg7: memref<1x256xf32, #tpu.memory_space<vmem>>, %arg8: memref<1x256xf32, #tpu.memory_space<vmem>>, %arg9: memref<1x256xf32, #tpu.memory_space<vmem>>, %arg10: memref<4x243x256xf32, #tpu.memory_space<vmem>>) attributes {dimension_semantics = [#tpu.dimension_semantics<arbitrary>], iteration_bounds = array<i64: 96>, scalar_prefetch = 0 : i64, scratch_operands = 0 : i64, tpu.core_type = #tpu.core_type<tc>, window_params = [{transform_indices = @transform_0, window_bounds = array<i64: 4, 243, 256>}, {pipeline_mode = #tpu.pipeline_mode<synchronous>, transform_indices = @transform_1, window_bounds = array<i64: 256, 256>}, {pipeline_mode = #tpu.pipeline_mode<synchronous>, transform_indices = @transform_2, window_bounds = array<i64: 1, 256>}, {pipeline_mode = #tpu.pipeline_mode<synchronous>, transform_indices = @transform_3, window_bounds = array<i64: 512, 256>}, {pipeline_mode = #tpu.pipeline_mode<synchronous>, transform_indices = @transform_4, window_bounds = array<i64: 1, 512>}, {pipeline_mode = #tpu.pipeline_mode<synchronous>, transform_indices = @transform_5, window_bounds = array<i64: 256, 512>}, {pipeline_mode = #tpu.pipeline_mode<synchronous>, transform_indices = @transform_6, window_bounds = array<i64: 1, 256>}, {pipeline_mode = #tpu.pipeline_mode<synchronous>, transform_indices = @transform_7, window_bounds = array<i64: 1, 256>}, {pipeline_mode = #tpu.pipeline_mode<synchronous>, transform_indices = @transform_8, window_bounds = array<i64: 1, 256>}, {transform_indices = @transform_9, window_bounds = array<i64: 4, 243, 256>}]} {
    %get3A = arith.constant 0 : index
    %get3A_0 = arith.constant 0 : index
    %get3A_1 = arith.constant 0 : index
    %get3A_2 = vector.load %arg1[%get3A, %get3A_0, %get3A_1] : memref<4x243x256xf32, #tpu.memory_space<vmem>>, vector<1x243x256xf32>
    %get3A_3 = vector.shape_cast %get3A_2 : vector<1x243x256xf32> to vector<243x256xf32>
    %mul3A = arith.mulf %get3A_3, %get3A_3 : vector<243x256xf32>
    %reduce_sum3A = arith.constant dense<0.000000e+00> : vector<243xf32>
    %reduce_sum3A_4 = vector.multi_reduction <add>, %mul3A, %reduce_sum3A [1] : vector<243x256xf32> to vector<243xf32>
    %broadcast_in_dim3A = vector.shape_cast %reduce_sum3A_4 : vector<243xf32> to vector<243x1xf32>
    %sqrt3A = math.sqrt %broadcast_in_dim3A : vector<243x1xf32>
    %max3A = arith.constant 9.99999996E-13 : f32
    %max3A_5 = vector.broadcast %max3A : f32 to vector<243x1xf32>
    %max3A_6 = arith.maximumf %sqrt3A, %max3A_5 : vector<243x1xf32>
    %div3A = arith.constant 1.000000e+00 : f32
    %div3A_7 = vector.broadcast %div3A : f32 to vector<243x1xf32>
    %div3A_8 = arith.divf %div3A_7, %max3A_6 : vector<243x1xf32>
    %mul3A_9 = vector.broadcast %div3A_8 : vector<243x1xf32> to vector<243x256xf32>
    %mul3A_10 = arith.mulf %get3A_3, %mul3A_9 : vector<243x256xf32>
    %dot_general3A = arith.constant dense<0.000000e+00> : vector<243x243xf32>
    %dot_general3A_11 = tpu.matmul %mul3A_10, %mul3A_10, %dot_general3A {dimension_numbers = #tpu.dot_dimension_numbers<[1], [1], [0], [0], [0, 0, 1, 0], [], []>, transpose_lhs_hint = false} : vector<243x256xf32>, vector<243x256xf32>, vector<243x243xf32> -> vector<243x243xf32>
    %reduce_max3A = arith.constant dense<0xFF800000> : vector<243xf32>
    %reduce_max3A_12 = vector.multi_reduction <maximumf>, %dot_general3A_11, %reduce_max3A [1] : vector<243x243xf32> to vector<243xf32>
    %broadcast_in_dim3A_13 = vector.shape_cast %reduce_max3A_12 : vector<243xf32> to vector<243x1xf32>
    %ge3A = vector.broadcast %broadcast_in_dim3A_13 : vector<243x1xf32> to vector<243x243xf32>
    %ge3A_14 = arith.cmpf oge, %dot_general3A_11, %ge3A : vector<243x243xf32>
    %jit3A = arith.constant 0xFF800000 : f32
    %broadcast_in_dim3A_15 = vector.broadcast %jit3A : f32 to vector<243x243xf32>
    %select_n3A = arith.select %ge3A_14, %broadcast_in_dim3A_15, %dot_general3A_11 : vector<243x243xi1>, vector<243x243xf32>
    %reduce_max3A_16 = arith.constant dense<0xFF800000> : vector<243xf32>
    %reduce_max3A_17 = vector.multi_reduction <maximumf>, %select_n3A, %reduce_max3A_16 [1] : vector<243x243xf32> to vector<243xf32>
    %broadcast_in_dim3A_18 = vector.shape_cast %reduce_max3A_17 : vector<243xf32> to vector<243x1xf32>
    %ge3A_19 = vector.broadcast %broadcast_in_dim3A_18 : vector<243x1xf32> to vector<243x243xf32>
    %ge3A_20 = arith.cmpf oge, %select_n3A, %ge3A_19 : vector<243x243xf32>
    %jit3A_21 = arith.constant 0xFF800000 : f32
    %broadcast_in_dim3A_22 = vector.broadcast %jit3A_21 : f32 to vector<243x243xf32>
    %select_n3A_23 = arith.select %ge3A_20, %broadcast_in_dim3A_22, %select_n3A : vector<243x243xi1>, vector<243x243xf32>
    %reduce_max3A_24 = arith.constant dense<0xFF800000> : vector<243xf32>
    %reduce_max3A_25 = vector.multi_reduction <maximumf>, %select_n3A_23, %reduce_max3A_24 [1] : vector<243x243xf32> to vector<243xf32>
    %broadcast_in_dim3A_26 = vector.shape_cast %reduce_max3A_25 : vector<243xf32> to vector<243x1xf32>
    %ge3A_27 = vector.broadcast %broadcast_in_dim3A_26 : vector<243x1xf32> to vector<243x243xf32>
    %ge3A_28 = arith.cmpf oge, %select_n3A_23, %ge3A_27 : vector<243x243xf32>
    %jit3A_29 = arith.constant 0xFF800000 : f32
    %broadcast_in_dim3A_30 = vector.broadcast %jit3A_29 : f32 to vector<243x243xf32>
    %select_n3A_31 = arith.select %ge3A_28, %broadcast_in_dim3A_30, %select_n3A_23 : vector<243x243xi1>, vector<243x243xf32>
    %reduce_max3A_32 = arith.constant dense<0xFF800000> : vector<243xf32>
    %reduce_max3A_33 = vector.multi_reduction <maximumf>, %select_n3A_31, %reduce_max3A_32 [1] : vector<243x243xf32> to vector<243xf32>
    %broadcast_in_dim3A_34 = vector.shape_cast %reduce_max3A_33 : vector<243xf32> to vector<243x1xf32>
    %ge3A_35 = vector.broadcast %broadcast_in_dim3A_34 : vector<243x1xf32> to vector<243x243xf32>
    %ge3A_36 = arith.cmpf oge, %select_n3A_31, %ge3A_35 : vector<243x243xf32>
    %jit3A_37 = arith.constant 0xFF800000 : f32
    %broadcast_in_dim3A_38 = vector.broadcast %jit3A_37 : f32 to vector<243x243xf32>
    %select_n3A_39 = arith.select %ge3A_36, %broadcast_in_dim3A_38, %select_n3A_31 : vector<243x243xi1>, vector<243x243xf32>
    %reduce_max3A_40 = arith.constant dense<0xFF800000> : vector<243xf32>
    %reduce_max3A_41 = vector.multi_reduction <maximumf>, %select_n3A_39, %reduce_max3A_40 [1] : vector<243x243xf32> to vector<243xf32>
    %broadcast_in_dim3A_42 = vector.shape_cast %reduce_max3A_41 : vector<243xf32> to vector<243x1xf32>
    %ge3A_43 = vector.broadcast %broadcast_in_dim3A_42 : vector<243x1xf32> to vector<243x243xf32>
    %ge3A_44 = arith.cmpf oge, %select_n3A_39, %ge3A_43 : vector<243x243xf32>
    %jit3A_45 = arith.constant 0xFF800000 : f32
    %broadcast_in_dim3A_46 = vector.broadcast %jit3A_45 : f32 to vector<243x243xf32>
    %select_n3A_47 = arith.select %ge3A_44, %broadcast_in_dim3A_46, %select_n3A_39 : vector<243x243xi1>, vector<243x243xf32>
    %reduce_max3A_48 = arith.constant dense<0xFF800000> : vector<243xf32>
    %reduce_max3A_49 = vector.multi_reduction <maximumf>, %select_n3A_47, %reduce_max3A_48 [1] : vector<243x243xf32> to vector<243xf32>
    %broadcast_in_dim3A_50 = vector.shape_cast %reduce_max3A_49 : vector<243xf32> to vector<243x1xf32>
    %ge3A_51 = vector.broadcast %broadcast_in_dim3A_50 : vector<243x1xf32> to vector<243x243xf32>
    %ge3A_52 = arith.cmpf oge, %select_n3A_47, %ge3A_51 : vector<243x243xf32>
    %jit3A_53 = arith.constant 0xFF800000 : f32
    %broadcast_in_dim3A_54 = vector.broadcast %jit3A_53 : f32 to vector<243x243xf32>
    %select_n3A_55 = arith.select %ge3A_52, %broadcast_in_dim3A_54, %select_n3A_47 : vector<243x243xi1>, vector<243x243xf32>
    %reduce_max3A_56 = arith.constant dense<0xFF800000> : vector<243xf32>
    %reduce_max3A_57 = vector.multi_reduction <maximumf>, %select_n3A_55, %reduce_max3A_56 [1] : vector<243x243xf32> to vector<243xf32>
    %broadcast_in_dim3A_58 = vector.shape_cast %reduce_max3A_57 : vector<243xf32> to vector<243x1xf32>
    %ge3A_59 = vector.broadcast %broadcast_in_dim3A_58 : vector<243x1xf32> to vector<243x243xf32>
    %ge3A_60 = arith.cmpf oge, %select_n3A_55, %ge3A_59 : vector<243x243xf32>
    %jit3A_61 = arith.constant 0xFF800000 : f32
    %broadcast_in_dim3A_62 = vector.broadcast %jit3A_61 : f32 to vector<243x243xf32>
    %select_n3A_63 = arith.select %ge3A_60, %broadcast_in_dim3A_62, %select_n3A_55 : vector<243x243xi1>, vector<243x243xf32>
    %reduce_max3A_64 = arith.constant dense<0xFF800000> : vector<243xf32>
    %reduce_max3A_65 = vector.multi_reduction <maximumf>, %select_n3A_63, %reduce_max3A_64 [1] : vector<243x243xf32> to vector<243xf32>
    %broadcast_in_dim3A_66 = vector.shape_cast %reduce_max3A_65 : vector<243xf32> to vector<243x1xf32>
    %ge3A_67 = vector.broadcast %broadcast_in_dim3A_66 : vector<243x1xf32> to vector<243x243xf32>
    %ge3A_68 = arith.cmpf oge, %select_n3A_63, %ge3A_67 : vector<243x243xf32>
    %jit3A_69 = arith.constant 0xFF800000 : f32
    %broadcast_in_dim3A_70 = vector.broadcast %jit3A_69 : f32 to vector<243x243xf32>
    %select_n3A_71 = arith.select %ge3A_68, %broadcast_in_dim3A_70, %select_n3A_63 : vector<243x243xi1>, vector<243x243xf32>
    %eq3A = arith.constant 0xFF800000 : f32
    %eq3A_72 = vector.broadcast %eq3A : f32 to vector<243x243xf32>
    %eq3A_73 = arith.cmpf oeq, %select_n3A_71, %eq3A_72 : vector<243x243xf32>
    %convert_element_type3A = arith.extui %eq3A_73 : vector<243x243xi1> to vector<243x243xi32>
    %convert_element_type3A_74 = arith.sitofp %convert_element_type3A : vector<243x243xi32> to vector<243x243xf32>
    %dot_general3A_75 = arith.constant dense<0.000000e+00> : vector<243x256xf32>
    %dot_general3A_76 = tpu.matmul %convert_element_type3A_74, %get3A_3, %dot_general3A_75 {dimension_numbers = #tpu.dot_dimension_numbers<[1], [0], [0], [1], [0, 0, 1, 1], [], []>, transpose_lhs_hint = false} : vector<243x243xf32>, vector<243x256xf32>, vector<243x256xf32> -> vector<243x256xf32>
    %mul3A_77 = arith.constant 1.250000e-01 : f32
    %mul3A_78 = vector.broadcast %mul3A_77 : f32 to vector<243x256xf32>
    %mul3A_79 = arith.mulf %dot_general3A_76, %mul3A_78 : vector<243x256xf32>
    %get3A_80 = arith.constant 0 : index
    %get3A_81 = arith.constant 0 : index
    %get3A_82 = vector.load %arg2[%get3A_80, %get3A_81] : memref<256x256xf32, #tpu.memory_space<vmem>>, vector<256x256xf32>
    %dot_general3A_83 = arith.constant dense<0.000000e+00> : vector<243x256xf32>
    %dot_general3A_84 = tpu.matmul %mul3A_79, %get3A_82, %dot_general3A_83 {dimension_numbers = #tpu.dot_dimension_numbers<[1], [1], [0], [0], [0, 0, 1, 0], [], []>, transpose_lhs_hint = false} : vector<243x256xf32>, vector<256x256xf32>, vector<243x256xf32> -> vector<243x256xf32>
    %get3A_85 = arith.constant 0 : index
    %get3A_86 = arith.constant 0 : index
    %get3A_87 = vector.load %arg3[%get3A_85, %get3A_86] : memref<1x256xf32, #tpu.memory_space<vmem>>, vector<1x256xf32>
    %add3A = vector.broadcast %get3A_87 : vector<1x256xf32> to vector<243x256xf32>
    %add3A_88 = arith.addf %dot_general3A_84, %add3A : vector<243x256xf32>
    %reduce_sum3A_89 = arith.constant dense<0.000000e+00> : vector<243xf32>
    %reduce_sum3A_90 = vector.multi_reduction <add>, %add3A_88, %reduce_sum3A_89 [1] : vector<243x256xf32> to vector<243xf32>
    %broadcast_in_dim3A_91 = vector.shape_cast %reduce_sum3A_90 : vector<243xf32> to vector<243x1xf32>
    %div3A_92 = arith.constant 2.560000e+02 : f32
    %div3A_93 = vector.broadcast %div3A_92 : f32 to vector<243x1xf32>
    %div3A_94 = arith.divf %broadcast_in_dim3A_91, %div3A_93 : vector<243x1xf32>
    %sub3A = vector.broadcast %div3A_94 : vector<243x1xf32> to vector<243x256xf32>
    %sub3A_95 = arith.subf %add3A_88, %sub3A : vector<243x256xf32>
    %mul3A_96 = arith.mulf %sub3A_95, %sub3A_95 : vector<243x256xf32>
    %reduce_sum3A_97 = arith.constant dense<0.000000e+00> : vector<243xf32>
    %reduce_sum3A_98 = vector.multi_reduction <add>, %mul3A_96, %reduce_sum3A_97 [1] : vector<243x256xf32> to vector<243xf32>
    %broadcast_in_dim3A_99 = vector.shape_cast %reduce_sum3A_98 : vector<243xf32> to vector<243x1xf32>
    %div3A_100 = arith.constant 2.560000e+02 : f32
    %div3A_101 = vector.broadcast %div3A_100 : f32 to vector<243x1xf32>
    %div3A_102 = arith.divf %broadcast_in_dim3A_99, %div3A_101 : vector<243x1xf32>
    %add3A_103 = arith.constant 9.99999974E-6 : f32
    %add3A_104 = vector.broadcast %add3A_103 : f32 to vector<243x1xf32>
    %add3A_105 = arith.addf %div3A_102, %add3A_104 : vector<243x1xf32>
    %rsqrt3A = math.rsqrt %add3A_105 : vector<243x1xf32>
    %mul3A_106 = vector.broadcast %rsqrt3A : vector<243x1xf32> to vector<243x256xf32>
    %mul3A_107 = arith.mulf %sub3A_95, %mul3A_106 : vector<243x256xf32>
    %get3A_108 = arith.constant 0 : index
    %get3A_109 = arith.constant 0 : index
    %get3A_110 = vector.load %arg8[%get3A_108, %get3A_109] : memref<1x256xf32, #tpu.memory_space<vmem>>, vector<1x256xf32>
    %mul3A_111 = vector.broadcast %get3A_110 : vector<1x256xf32> to vector<243x256xf32>
    %mul3A_112 = arith.mulf %mul3A_107, %mul3A_111 : vector<243x256xf32>
    %get3A_113 = arith.constant 0 : index
    %get3A_114 = arith.constant 0 : index
    %get3A_115 = vector.load %arg9[%get3A_113, %get3A_114] : memref<1x256xf32, #tpu.memory_space<vmem>>, vector<1x256xf32>
    %add3A_116 = vector.broadcast %get3A_115 : vector<1x256xf32> to vector<243x256xf32>
    %add3A_117 = arith.addf %mul3A_112, %add3A_116 : vector<243x256xf32>
    %get3A_118 = arith.constant 0 : index
    %get3A_119 = arith.constant 0 : index
    %get3A_120 = vector.load %arg4[%get3A_118, %get3A_119] : memref<512x256xf32, #tpu.memory_space<vmem>>, vector<512x256xf32>
    %dot_general3A_121 = arith.constant dense<0.000000e+00> : vector<243x512xf32>
    %dot_general3A_122 = tpu.matmul %add3A_117, %get3A_120, %dot_general3A_121 {dimension_numbers = #tpu.dot_dimension_numbers<[1], [1], [0], [0], [0, 0, 1, 0], [], []>, transpose_lhs_hint = false} : vector<243x256xf32>, vector<512x256xf32>, vector<243x512xf32> -> vector<243x512xf32>
    %get3A_123 = arith.constant 0 : index
    %get3A_124 = arith.constant 0 : index
    %get3A_125 = vector.load %arg5[%get3A_123, %get3A_124] : memref<1x512xf32, #tpu.memory_space<vmem>>, vector<1x512xf32>
    %add3A_126 = vector.broadcast %get3A_125 : vector<1x512xf32> to vector<243x512xf32>
    %add3A_127 = arith.addf %dot_general3A_122, %add3A_126 : vector<243x512xf32>
    %max3A_128 = arith.constant 0.000000e+00 : f32
    %max3A_129 = vector.broadcast %max3A_128 : f32 to vector<243x512xf32>
    %max3A_130 = arith.maximumf %add3A_127, %max3A_129 : vector<243x512xf32>
    %get3A_131 = arith.constant 0 : index
    %get3A_132 = arith.constant 0 : index
    %get3A_133 = vector.load %arg6[%get3A_131, %get3A_132] : memref<256x512xf32, #tpu.memory_space<vmem>>, vector<256x512xf32>
    %dot_general3A_134 = arith.constant dense<0.000000e+00> : vector<243x256xf32>
    %dot_general3A_135 = tpu.matmul %max3A_130, %get3A_133, %dot_general3A_134 {dimension_numbers = #tpu.dot_dimension_numbers<[1], [1], [0], [0], [0, 0, 1, 0], [], []>, transpose_lhs_hint = false} : vector<243x512xf32>, vector<256x512xf32>, vector<243x256xf32> -> vector<243x256xf32>
    %get3A_136 = arith.constant 0 : index
    %get3A_137 = arith.constant 0 : index
    %get3A_138 = vector.load %arg7[%get3A_136, %get3A_137] : memref<1x256xf32, #tpu.memory_space<vmem>>, vector<1x256xf32>
    %add3A_139 = vector.broadcast %get3A_138 : vector<1x256xf32> to vector<243x256xf32>
    %add3A_140 = arith.addf %dot_general3A_135, %add3A_139 : vector<243x256xf32>
    %swap3A = arith.constant 0 : index
    %swap3A_141 = arith.constant 0 : index
    %swap3A_142 = arith.constant 0 : index
    %swap3A_143 = vector.load %arg10[%swap3A, %swap3A_141, %swap3A_142] : memref<4x243x256xf32, #tpu.memory_space<vmem>>, vector<1x243x256xf32>
    %swap3A_144 = vector.shape_cast %swap3A_143 : vector<1x243x256xf32> to vector<243x256xf32>
    %swap3A_145 = vector.shape_cast %add3A_140 : vector<243x256xf32> to vector<1x243x256xf32>
    tpu.vector_store %arg10[%swap3A, %swap3A_141, %swap3A_142], %swap3A_145 {strides = array<i32>} : memref<4x243x256xf32, #tpu.memory_space<vmem>>, vector<1x243x256xf32>,
    %get3A_146 = arith.constant 1 : index
    %get3A_147 = arith.constant 0 : index
    %get3A_148 = arith.constant 0 : index
    %get3A_149 = vector.load %arg1[%get3A_146, %get3A_147, %get3A_148] : memref<4x243x256xf32, #tpu.memory_space<vmem>>, vector<1x243x256xf32>
    %get3A_150 = vector.shape_cast %get3A_149 : vector<1x243x256xf32> to vector<243x256xf32>
    %mul3A_151 = arith.mulf %get3A_150, %get3A_150 : vector<243x256xf32>
    %reduce_sum3A_152 = arith.constant dense<0.000000e+00> : vector<243xf32>
    %reduce_sum3A_153 = vector.multi_reduction <add>, %mul3A_151, %reduce_sum3A_152 [1] : vector<243x256xf32> to vector<243xf32>
    %broadcast_in_dim3A_154 = vector.shape_cast %reduce_sum3A_153 : vector<243xf32> to vector<243x1xf32>
    %sqrt3A_155 = math.sqrt %broadcast_in_dim3A_154 : vector<243x1xf32>
    %max3A_156 = arith.constant 9.99999996E-13 : f32
    %max3A_157 = vector.broadcast %max3A_156 : f32 to vector<243x1xf32>
    %max3A_158 = arith.maximumf %sqrt3A_155, %max3A_157 : vector<243x1xf32>
    %div3A_159 = arith.constant 1.000000e+00 : f32
    %div3A_160 = vector.broadcast %div3A_159 : f32 to vector<243x1xf32>
    %div3A_161 = arith.divf %div3A_160, %max3A_158 : vector<243x1xf32>
    %mul3A_162 = vector.broadcast %div3A_161 : vector<243x1xf32> to vector<243x256xf32>
    %mul3A_163 = arith.mulf %get3A_150, %mul3A_162 : vector<243x256xf32>
    %dot_general3A_164 = arith.constant dense<0.000000e+00> : vector<243x243xf32>
    %dot_general3A_165 = tpu.matmul %mul3A_163, %mul3A_163, %dot_general3A_164 {dimension_numbers = #tpu.dot_dimension_numbers<[1], [1], [0], [0], [0, 0, 1, 0], [], []>, transpose_lhs_hint = false} : vector<243x256xf32>, vector<243x256xf32>, vector<243x243xf32> -> vector<243x243xf32>
    %reduce_max3A_166 = arith.constant dense<0xFF800000> : vector<243xf32>
    %reduce_max3A_167 = vector.multi_reduction <maximumf>, %dot_general3A_165, %reduce_max3A_166 [1] : vector<243x243xf32> to vector<243xf32>
    %broadcast_in_dim3A_168 = vector.shape_cast %reduce_max3A_167 : vector<243xf32> to vector<243x1xf32>
    %ge3A_169 = vector.broadcast %broadcast_in_dim3A_168 : vector<243x1xf32> to vector<243x243xf32>
    %ge3A_170 = arith.cmpf oge, %dot_general3A_165, %ge3A_169 : vector<243x243xf32>
    %jit3A_171 = arith.constant 0xFF800000 : f32
    %broadcast_in_dim3A_172 = vector.broadcast %jit3A_171 : f32 to vector<243x243xf32>
    %select_n3A_173 = arith.select %ge3A_170, %broadcast_in_dim3A_172, %dot_general3A_165 : vector<243x243xi1>, vector<243x243xf32>
    %reduce_max3A_174 = arith.constant dense<0xFF800000> : vector<243xf32>
    %reduce_max3A_175 = vector.multi_reduction <maximumf>, %select_n3A_173, %reduce_max3A_174 [1] : vector<243x243xf32> to vector<243xf32>
    %broadcast_in_dim3A_176 = vector.shape_cast %reduce_max3A_175 : vector<243xf32> to vector<243x1xf32>
    %ge3A_177 = vector.broadcast %broadcast_in_dim3A_176 : vector<243x1xf32> to vector<243x243xf32>
    %ge3A_178 = arith.cmpf oge, %select_n3A_173, %ge3A_177 : vector<243x243xf32>
    %jit3A_179 = arith.constant 0xFF800000 : f32
    %broadcast_in_dim3A_180 = vector.broadcast %jit3A_179 : f32 to vector<243x243xf32>
    %select_n3A_181 = arith.select %ge3A_178, %broadcast_in_dim3A_180, %select_n3A_173 : vector<243x243xi1>, vector<243x243xf32>
    %reduce_max3A_182 = arith.constant dense<0xFF800000> : vector<243xf32>
    %reduce_max3A_183 = vector.multi_reduction <maximumf>, %select_n3A_181, %reduce_max3A_182 [1] : vector<243x243xf32> to vector<243xf32>
    %broadcast_in_dim3A_184 = vector.shape_cast %reduce_max3A_183 : vector<243xf32> to vector<243x1xf32>
    %ge3A_185 = vector.broadcast %broadcast_in_dim3A_184 : vector<243x1xf32> to vector<243x243xf32>
    %ge3A_186 = arith.cmpf oge, %select_n3A_181, %ge3A_185 : vector<243x243xf32>
    %jit3A_187 = arith.constant 0xFF800000 : f32
    %broadcast_in_dim3A_188 = vector.broadcast %jit3A_187 : f32 to vector<243x243xf32>
    %select_n3A_189 = arith.select %ge3A_186, %broadcast_in_dim3A_188, %select_n3A_181 : vector<243x243xi1>, vector<243x243xf32>
    %reduce_max3A_190 = arith.constant dense<0xFF800000> : vector<243xf32>
    %reduce_max3A_191 = vector.multi_reduction <maximumf>, %select_n3A_189, %reduce_max3A_190 [1] : vector<243x243xf32> to vector<243xf32>
    %broadcast_in_dim3A_192 = vector.shape_cast %reduce_max3A_191 : vector<243xf32> to vector<243x1xf32>
    %ge3A_193 = vector.broadcast %broadcast_in_dim3A_192 : vector<243x1xf32> to vector<243x243xf32>
    %ge3A_194 = arith.cmpf oge, %select_n3A_189, %ge3A_193 : vector<243x243xf32>
    %jit3A_195 = arith.constant 0xFF800000 : f32
    %broadcast_in_dim3A_196 = vector.broadcast %jit3A_195 : f32 to vector<243x243xf32>
    %select_n3A_197 = arith.select %ge3A_194, %broadcast_in_dim3A_196, %select_n3A_189 : vector<243x243xi1>, vector<243x243xf32>
    %reduce_max3A_198 = arith.constant dense<0xFF800000> : vector<243xf32>
    %reduce_max3A_199 = vector.multi_reduction <maximumf>, %select_n3A_197, %reduce_max3A_198 [1] : vector<243x243xf32> to vector<243xf32>
    %broadcast_in_dim3A_200 = vector.shape_cast %reduce_max3A_199 : vector<243xf32> to vector<243x1xf32>
    %ge3A_201 = vector.broadcast %broadcast_in_dim3A_200 : vector<243x1xf32> to vector<243x243xf32>
    %ge3A_202 = arith.cmpf oge, %select_n3A_197, %ge3A_201 : vector<243x243xf32>
    %jit3A_203 = arith.constant 0xFF800000 : f32
    %broadcast_in_dim3A_204 = vector.broadcast %jit3A_203 : f32 to vector<243x243xf32>
    %select_n3A_205 = arith.select %ge3A_202, %broadcast_in_dim3A_204, %select_n3A_197 : vector<243x243xi1>, vector<243x243xf32>
    %reduce_max3A_206 = arith.constant dense<0xFF800000> : vector<243xf32>
    %reduce_max3A_207 = vector.multi_reduction <maximumf>, %select_n3A_205, %reduce_max3A_206 [1] : vector<243x243xf32> to vector<243xf32>
    %broadcast_in_dim3A_208 = vector.shape_cast %reduce_max3A_207 : vector<243xf32> to vector<243x1xf32>
    %ge3A_209 = vector.broadcast %broadcast_in_dim3A_208 : vector<243x1xf32> to vector<243x243xf32>
    %ge3A_210 = arith.cmpf oge, %select_n3A_205, %ge3A_209 : vector<243x243xf32>
    %jit3A_211 = arith.constant 0xFF800000 : f32
    %broadcast_in_dim3A_212 = vector.broadcast %jit3A_211 : f32 to vector<243x243xf32>
    %select_n3A_213 = arith.select %ge3A_210, %broadcast_in_dim3A_212, %select_n3A_205 : vector<243x243xi1>, vector<243x243xf32>
    %reduce_max3A_214 = arith.constant dense<0xFF800000> : vector<243xf32>
    %reduce_max3A_215 = vector.multi_reduction <maximumf>, %select_n3A_213, %reduce_max3A_214 [1] : vector<243x243xf32> to vector<243xf32>
    %broadcast_in_dim3A_216 = vector.shape_cast %reduce_max3A_215 : vector<243xf32> to vector<243x1xf32>
    %ge3A_217 = vector.broadcast %broadcast_in_dim3A_216 : vector<243x1xf32> to vector<243x243xf32>
    %ge3A_218 = arith.cmpf oge, %select_n3A_213, %ge3A_217 : vector<243x243xf32>
    %jit3A_219 = arith.constant 0xFF800000 : f32
    %broadcast_in_dim3A_220 = vector.broadcast %jit3A_219 : f32 to vector<243x243xf32>
    %select_n3A_221 = arith.select %ge3A_218, %broadcast_in_dim3A_220, %select_n3A_213 : vector<243x243xi1>, vector<243x243xf32>
    %reduce_max3A_222 = arith.constant dense<0xFF800000> : vector<243xf32>
    %reduce_max3A_223 = vector.multi_reduction <maximumf>, %select_n3A_221, %reduce_max3A_222 [1] : vector<243x243xf32> to vector<243xf32>
    %broadcast_in_dim3A_224 = vector.shape_cast %reduce_max3A_223 : vector<243xf32> to vector<243x1xf32>
    %ge3A_225 = vector.broadcast %broadcast_in_dim3A_224 : vector<243x1xf32> to vector<243x243xf32>
    %ge3A_226 = arith.cmpf oge, %select_n3A_221, %ge3A_225 : vector<243x243xf32>
    %jit3A_227 = arith.constant 0xFF800000 : f32
    %broadcast_in_dim3A_228 = vector.broadcast %jit3A_227 : f32 to vector<243x243xf32>
    %select_n3A_229 = arith.select %ge3A_226, %broadcast_in_dim3A_228, %select_n3A_221 : vector<243x243xi1>, vector<243x243xf32>
    %eq3A_230 = arith.constant 0xFF800000 : f32
    %eq3A_231 = vector.broadcast %eq3A_230 : f32 to vector<243x243xf32>
    %eq3A_232 = arith.cmpf oeq, %select_n3A_229, %eq3A_231 : vector<243x243xf32>
    %convert_element_type3A_233 = arith.extui %eq3A_232 : vector<243x243xi1> to vector<243x243xi32>
    %convert_element_type3A_234 = arith.sitofp %convert_element_type3A_233 : vector<243x243xi32> to vector<243x243xf32>
    %dot_general3A_235 = arith.constant dense<0.000000e+00> : vector<243x256xf32>
    %dot_general3A_236 = tpu.matmul %convert_element_type3A_234, %get3A_150, %dot_general3A_235 {dimension_numbers = #tpu.dot_dimension_numbers<[1], [0], [0], [1], [0, 0, 1, 1], [], []>, transpose_lhs_hint = false} : vector<243x243xf32>, vector<243x256xf32>, vector<243x256xf32> -> vector<243x256xf32>
    %mul3A_237 = arith.constant 1.250000e-01 : f32
    %mul3A_238 = vector.broadcast %mul3A_237 : f32 to vector<243x256xf32>
    %mul3A_239 = arith.mulf %dot_general3A_236, %mul3A_238 : vector<243x256xf32>
    %get3A_240 = arith.constant 0 : index
    %get3A_241 = arith.constant 0 : index
    %get3A_242 = vector.load %arg2[%get3A_240, %get3A_241] : memref<256x256xf32, #tpu.memory_space<vmem>>, vector<256x256xf32>
    %dot_general3A_243 = arith.constant dense<0.000000e+00> : vector<243x256xf32>
    %dot_general3A_244 = tpu.matmul %mul3A_239, %get3A_242, %dot_general3A_243 {dimension_numbers = #tpu.dot_dimension_numbers<[1], [1], [0], [0], [0, 0, 1, 0], [], []>, transpose_lhs_hint = false} : vector<243x256xf32>, vector<256x256xf32>, vector<243x256xf32> -> vector<243x256xf32>
    %get3A_245 = arith.constant 0 : index
    %get3A_246 = arith.constant 0 : index
    %get3A_247 = vector.load %arg3[%get3A_245, %get3A_246] : memref<1x256xf32, #tpu.memory_space<vmem>>, vector<1x256xf32>
    %add3A_248 = vector.broadcast %get3A_247 : vector<1x256xf32> to vector<243x256xf32>
    %add3A_249 = arith.addf %dot_general3A_244, %add3A_248 : vector<243x256xf32>
    %reduce_sum3A_250 = arith.constant dense<0.000000e+00> : vector<243xf32>
    %reduce_sum3A_251 = vector.multi_reduction <add>, %add3A_249, %reduce_sum3A_250 [1] : vector<243x256xf32> to vector<243xf32>
    %broadcast_in_dim3A_252 = vector.shape_cast %reduce_sum3A_251 : vector<243xf32> to vector<243x1xf32>
    %div3A_253 = arith.constant 2.560000e+02 : f32
    %div3A_254 = vector.broadcast %div3A_253 : f32 to vector<243x1xf32>
    %div3A_255 = arith.divf %broadcast_in_dim3A_252, %div3A_254 : vector<243x1xf32>
    %sub3A_256 = vector.broadcast %div3A_255 : vector<243x1xf32> to vector<243x256xf32>
    %sub3A_257 = arith.subf %add3A_249, %sub3A_256 : vector<243x256xf32>
    %mul3A_258 = arith.mulf %sub3A_257, %sub3A_257 : vector<243x256xf32>
    %reduce_sum3A_259 = arith.constant dense<0.000000e+00> : vector<243xf32>
    %reduce_sum3A_260 = vector.multi_reduction <add>, %mul3A_258, %reduce_sum3A_259 [1] : vector<243x256xf32> to vector<243xf32>
    %broadcast_in_dim3A_261 = vector.shape_cast %reduce_sum3A_260 : vector<243xf32> to vector<243x1xf32>
    %div3A_262 = arith.constant 2.560000e+02 : f32
    %div3A_263 = vector.broadcast %div3A_262 : f32 to vector<243x1xf32>
    %div3A_264 = arith.divf %broadcast_in_dim3A_261, %div3A_263 : vector<243x1xf32>
    %add3A_265 = arith.constant 9.99999974E-6 : f32
    %add3A_266 = vector.broadcast %add3A_265 : f32 to vector<243x1xf32>
    %add3A_267 = arith.addf %div3A_264, %add3A_266 : vector<243x1xf32>
    %rsqrt3A_268 = math.rsqrt %add3A_267 : vector<243x1xf32>
    %mul3A_269 = vector.broadcast %rsqrt3A_268 : vector<243x1xf32> to vector<243x256xf32>
    %mul3A_270 = arith.mulf %sub3A_257, %mul3A_269 : vector<243x256xf32>
    %get3A_271 = arith.constant 0 : index
    %get3A_272 = arith.constant 0 : index
    %get3A_273 = vector.load %arg8[%get3A_271, %get3A_272] : memref<1x256xf32, #tpu.memory_space<vmem>>, vector<1x256xf32>
    %mul3A_274 = vector.broadcast %get3A_273 : vector<1x256xf32> to vector<243x256xf32>
    %mul3A_275 = arith.mulf %mul3A_270, %mul3A_274 : vector<243x256xf32>
    %get3A_276 = arith.constant 0 : index
    %get3A_277 = arith.constant 0 : index
    %get3A_278 = vector.load %arg9[%get3A_276, %get3A_277] : memref<1x256xf32, #tpu.memory_space<vmem>>, vector<1x256xf32>
    %add3A_279 = vector.broadcast %get3A_278 : vector<1x256xf32> to vector<243x256xf32>
    %add3A_280 = arith.addf %mul3A_275, %add3A_279 : vector<243x256xf32>
    %get3A_281 = arith.constant 0 : index
    %get3A_282 = arith.constant 0 : index
    %get3A_283 = vector.load %arg4[%get3A_281, %get3A_282] : memref<512x256xf32, #tpu.memory_space<vmem>>, vector<512x256xf32>
    %dot_general3A_284 = arith.constant dense<0.000000e+00> : vector<243x512xf32>
    %dot_general3A_285 = tpu.matmul %add3A_280, %get3A_283, %dot_general3A_284 {dimension_numbers = #tpu.dot_dimension_numbers<[1], [1], [0], [0], [0, 0, 1, 0], [], []>, transpose_lhs_hint = false} : vector<243x256xf32>, vector<512x256xf32>, vector<243x512xf32> -> vector<243x512xf32>
    %get3A_286 = arith.constant 0 : index
    %get3A_287 = arith.constant 0 : index
    %get3A_288 = vector.load %arg5[%get3A_286, %get3A_287] : memref<1x512xf32, #tpu.memory_space<vmem>>, vector<1x512xf32>
    %add3A_289 = vector.broadcast %get3A_288 : vector<1x512xf32> to vector<243x512xf32>
    %add3A_290 = arith.addf %dot_general3A_285, %add3A_289 : vector<243x512xf32>
    %max3A_291 = arith.constant 0.000000e+00 : f32
    %max3A_292 = vector.broadcast %max3A_291 : f32 to vector<243x512xf32>
    %max3A_293 = arith.maximumf %add3A_290, %max3A_292 : vector<243x512xf32>
    %get3A_294 = arith.constant 0 : index
    %get3A_295 = arith.constant 0 : index
    %get3A_296 = vector.load %arg6[%get3A_294, %get3A_295] : memref<256x512xf32, #tpu.memory_space<vmem>>, vector<256x512xf32>
    %dot_general3A_297 = arith.constant dense<0.000000e+00> : vector<243x256xf32>
    %dot_general3A_298 = tpu.matmul %max3A_293, %get3A_296, %dot_general3A_297 {dimension_numbers = #tpu.dot_dimension_numbers<[1], [1], [0], [0], [0, 0, 1, 0], [], []>, transpose_lhs_hint = false} : vector<243x512xf32>, vector<256x512xf32>, vector<243x256xf32> -> vector<243x256xf32>
    %get3A_299 = arith.constant 0 : index
    %get3A_300 = arith.constant 0 : index
    %get3A_301 = vector.load %arg7[%get3A_299, %get3A_300] : memref<1x256xf32, #tpu.memory_space<vmem>>, vector<1x256xf32>
    %add3A_302 = vector.broadcast %get3A_301 : vector<1x256xf32> to vector<243x256xf32>
    %add3A_303 = arith.addf %dot_general3A_298, %add3A_302 : vector<243x256xf32>
    %swap3A_304 = arith.constant 1 : index
    %swap3A_305 = arith.constant 0 : index
    %swap3A_306 = arith.constant 0 : index
    %swap3A_307 = vector.load %arg10[%swap3A_304, %swap3A_305, %swap3A_306] : memref<4x243x256xf32, #tpu.memory_space<vmem>>, vector<1x243x256xf32>
    %swap3A_308 = vector.shape_cast %swap3A_307 : vector<1x243x256xf32> to vector<243x256xf32>
    %swap3A_309 = vector.shape_cast %add3A_303 : vector<243x256xf32> to vector<1x243x256xf32>
    tpu.vector_store %arg10[%swap3A_304, %swap3A_305, %swap3A_306], %swap3A_309 {strides = array<i32>} : memref<4x243x256xf32, #tpu.memory_space<vmem>>, vector<1x243x256xf32>,
    %get3A_310 = arith.constant 2 : index
    %get3A_311 = arith.constant 0 : index
    %get3A_312 = arith.constant 0 : index
    %get3A_313 = vector.load %arg1[%get3A_310, %get3A_311, %get3A_312] : memref<4x243x256xf32, #tpu.memory_space<vmem>>, vector<1x243x256xf32>
    %get3A_314 = vector.shape_cast %get3A_313 : vector<1x243x256xf32> to vector<243x256xf32>
    %mul3A_315 = arith.mulf %get3A_314, %get3A_314 : vector<243x256xf32>
    %reduce_sum3A_316 = arith.constant dense<0.000000e+00> : vector<243xf32>
    %reduce_sum3A_317 = vector.multi_reduction <add>, %mul3A_315, %reduce_sum3A_316 [1] : vector<243x256xf32> to vector<243xf32>
    %broadcast_in_dim3A_318 = vector.shape_cast %reduce_sum3A_317 : vector<243xf32> to vector<243x1xf32>
    %sqrt3A_319 = math.sqrt %broadcast_in_dim3A_318 : vector<243x1xf32>
    %max3A_320 = arith.constant 9.99999996E-13 : f32
    %max3A_321 = vector.broadcast %max3A_320 : f32 to vector<243x1xf32>
    %max3A_322 = arith.maximumf %sqrt3A_319, %max3A_321 : vector<243x1xf32>
    %div3A_323 = arith.constant 1.000000e+00 : f32
    %div3A_324 = vector.broadcast %div3A_323 : f32 to vector<243x1xf32>
    %div3A_325 = arith.divf %div3A_324, %max3A_322 : vector<243x1xf32>
    %mul3A_326 = vector.broadcast %div3A_325 : vector<243x1xf32> to vector<243x256xf32>
    %mul3A_327 = arith.mulf %get3A_314, %mul3A_326 : vector<243x256xf32>
    %dot_general3A_328 = arith.constant dense<0.000000e+00> : vector<243x243xf32>
    %dot_general3A_329 = tpu.matmul %mul3A_327, %mul3A_327, %dot_general3A_328 {dimension_numbers = #tpu.dot_dimension_numbers<[1], [1], [0], [0], [0, 0, 1, 0], [], []>, transpose_lhs_hint = false} : vector<243x256xf32>, vector<243x256xf32>, vector<243x243xf32> -> vector<243x243xf32>
    %reduce_max3A_330 = arith.constant dense<0xFF800000> : vector<243xf32>
    %reduce_max3A_331 = vector.multi_reduction <maximumf>, %dot_general3A_329, %reduce_max3A_330 [1] : vector<243x243xf32> to vector<243xf32>
    %broadcast_in_dim3A_332 = vector.shape_cast %reduce_max3A_331 : vector<243xf32> to vector<243x1xf32>
    %ge3A_333 = vector.broadcast %broadcast_in_dim3A_332 : vector<243x1xf32> to vector<243x243xf32>
    %ge3A_334 = arith.cmpf oge, %dot_general3A_329, %ge3A_333 : vector<243x243xf32>
    %jit3A_335 = arith.constant 0xFF800000 : f32
    %broadcast_in_dim3A_336 = vector.broadcast %jit3A_335 : f32 to vector<243x243xf32>
    %select_n3A_337 = arith.select %ge3A_334, %broadcast_in_dim3A_336, %dot_general3A_329 : vector<243x243xi1>, vector<243x243xf32>
    %reduce_max3A_338 = arith.constant dense<0xFF800000> : vector<243xf32>
    %reduce_max3A_339 = vector.multi_reduction <maximumf>, %select_n3A_337, %reduce_max3A_338 [1] : vector<243x243xf32> to vector<243xf32>
    %broadcast_in_dim3A_340 = vector.shape_cast %reduce_max3A_339 : vector<243xf32> to vector<243x1xf32>
    %ge3A_341 = vector.broadcast %broadcast_in_dim3A_340 : vector<243x1xf32> to vector<243x243xf32>
    %ge3A_342 = arith.cmpf oge, %select_n3A_337, %ge3A_341 : vector<243x243xf32>
    %jit3A_343 = arith.constant 0xFF800000 : f32
    %broadcast_in_dim3A_344 = vector.broadcast %jit3A_343 : f32 to vector<243x243xf32>
    %select_n3A_345 = arith.select %ge3A_342, %broadcast_in_dim3A_344, %select_n3A_337 : vector<243x243xi1>, vector<243x243xf32>
    %reduce_max3A_346 = arith.constant dense<0xFF800000> : vector<243xf32>
    %reduce_max3A_347 = vector.multi_reduction <maximumf>, %select_n3A_345, %reduce_max3A_346 [1] : vector<243x243xf32> to vector<243xf32>
    %broadcast_in_dim3A_348 = vector.shape_cast %reduce_max3A_347 : vector<243xf32> to vector<243x1xf32>
    %ge3A_349 = vector.broadcast %broadcast_in_dim3A_348 : vector<243x1xf32> to vector<243x243xf32>
    %ge3A_350 = arith.cmpf oge, %select_n3A_345, %ge3A_349 : vector<243x243xf32>
    %jit3A_351 = arith.constant 0xFF800000 : f32
    %broadcast_in_dim3A_352 = vector.broadcast %jit3A_351 : f32 to vector<243x243xf32>
    %select_n3A_353 = arith.select %ge3A_350, %broadcast_in_dim3A_352, %select_n3A_345 : vector<243x243xi1>, vector<243x243xf32>
    %reduce_max3A_354 = arith.constant dense<0xFF800000> : vector<243xf32>
    %reduce_max3A_355 = vector.multi_reduction <maximumf>, %select_n3A_353, %reduce_max3A_354 [1] : vector<243x243xf32> to vector<243xf32>
    %broadcast_in_dim3A_356 = vector.shape_cast %reduce_max3A_355 : vector<243xf32> to vector<243x1xf32>
    %ge3A_357 = vector.broadcast %broadcast_in_dim3A_356 : vector<243x1xf32> to vector<243x243xf32>
    %ge3A_358 = arith.cmpf oge, %select_n3A_353, %ge3A_357 : vector<243x243xf32>
    %jit3A_359 = arith.constant 0xFF800000 : f32
    %broadcast_in_dim3A_360 = vector.broadcast %jit3A_359 : f32 to vector<243x243xf32>
    %select_n3A_361 = arith.select %ge3A_358, %broadcast_in_dim3A_360, %select_n3A_353 : vector<243x243xi1>, vector<243x243xf32>
    %reduce_max3A_362 = arith.constant dense<0xFF800000> : vector<243xf32>
    %reduce_max3A_363 = vector.multi_reduction <maximumf>, %select_n3A_361, %reduce_max3A_362 [1] : vector<243x243xf32> to vector<243xf32>
    %broadcast_in_dim3A_364 = vector.shape_cast %reduce_max3A_363 : vector<243xf32> to vector<243x1xf32>
    %ge3A_365 = vector.broadcast %broadcast_in_dim3A_364 : vector<243x1xf32> to vector<243x243xf32>
    %ge3A_366 = arith.cmpf oge, %select_n3A_361, %ge3A_365 : vector<243x243xf32>
    %jit3A_367 = arith.constant 0xFF800000 : f32
    %broadcast_in_dim3A_368 = vector.broadcast %jit3A_367 : f32 to vector<243x243xf32>
    %select_n3A_369 = arith.select %ge3A_366, %broadcast_in_dim3A_368, %select_n3A_361 : vector<243x243xi1>, vector<243x243xf32>
    %reduce_max3A_370 = arith.constant dense<0xFF800000> : vector<243xf32>
    %reduce_max3A_371 = vector.multi_reduction <maximumf>, %select_n3A_369, %reduce_max3A_370 [1] : vector<243x243xf32> to vector<243xf32>
    %broadcast_in_dim3A_372 = vector.shape_cast %reduce_max3A_371 : vector<243xf32> to vector<243x1xf32>
    %ge3A_373 = vector.broadcast %broadcast_in_dim3A_372 : vector<243x1xf32> to vector<243x243xf32>
    %ge3A_374 = arith.cmpf oge, %select_n3A_369, %ge3A_373 : vector<243x243xf32>
    %jit3A_375 = arith.constant 0xFF800000 : f32
    %broadcast_in_dim3A_376 = vector.broadcast %jit3A_375 : f32 to vector<243x243xf32>
    %select_n3A_377 = arith.select %ge3A_374, %broadcast_in_dim3A_376, %select_n3A_369 : vector<243x243xi1>, vector<243x243xf32>
    %reduce_max3A_378 = arith.constant dense<0xFF800000> : vector<243xf32>
    %reduce_max3A_379 = vector.multi_reduction <maximumf>, %select_n3A_377, %reduce_max3A_378 [1] : vector<243x243xf32> to vector<243xf32>
    %broadcast_in_dim3A_380 = vector.shape_cast %reduce_max3A_379 : vector<243xf32> to vector<243x1xf32>
    %ge3A_381 = vector.broadcast %broadcast_in_dim3A_380 : vector<243x1xf32> to vector<243x243xf32>
    %ge3A_382 = arith.cmpf oge, %select_n3A_377, %ge3A_381 : vector<243x243xf32>
    %jit3A_383 = arith.constant 0xFF800000 : f32
    %broadcast_in_dim3A_384 = vector.broadcast %jit3A_383 : f32 to vector<243x243xf32>
    %select_n3A_385 = arith.select %ge3A_382, %broadcast_in_dim3A_384, %select_n3A_377 : vector<243x243xi1>, vector<243x243xf32>
    %reduce_max3A_386 = arith.constant dense<0xFF800000> : vector<243xf32>
    %reduce_max3A_387 = vector.multi_reduction <maximumf>, %select_n3A_385, %reduce_max3A_386 [1] : vector<243x243xf32> to vector<243xf32>
    %broadcast_in_dim3A_388 = vector.shape_cast %reduce_max3A_387 : vector<243xf32> to vector<243x1xf32>
    %ge3A_389 = vector.broadcast %broadcast_in_dim3A_388 : vector<243x1xf32> to vector<243x243xf32>
    %ge3A_390 = arith.cmpf oge, %select_n3A_385, %ge3A_389 : vector<243x243xf32>
    %jit3A_391 = arith.constant 0xFF800000 : f32
    %broadcast_in_dim3A_392 = vector.broadcast %jit3A_391 : f32 to vector<243x243xf32>
    %select_n3A_393 = arith.select %ge3A_390, %broadcast_in_dim3A_392, %select_n3A_385 : vector<243x243xi1>, vector<243x243xf32>
    %eq3A_394 = arith.constant 0xFF800000 : f32
    %eq3A_395 = vector.broadcast %eq3A_394 : f32 to vector<243x243xf32>
    %eq3A_396 = arith.cmpf oeq, %select_n3A_393, %eq3A_395 : vector<243x243xf32>
    %convert_element_type3A_397 = arith.extui %eq3A_396 : vector<243x243xi1> to vector<243x243xi32>
    %convert_element_type3A_398 = arith.sitofp %convert_element_type3A_397 : vector<243x243xi32> to vector<243x243xf32>
    %dot_general3A_399 = arith.constant dense<0.000000e+00> : vector<243x256xf32>
    %dot_general3A_400 = tpu.matmul %convert_element_type3A_398, %get3A_314, %dot_general3A_399 {dimension_numbers = #tpu.dot_dimension_numbers<[1], [0], [0], [1], [0, 0, 1, 1], [], []>, transpose_lhs_hint = false} : vector<243x243xf32>, vector<243x256xf32>, vector<243x256xf32> -> vector<243x256xf32>
    %mul3A_401 = arith.constant 1.250000e-01 : f32
    %mul3A_402 = vector.broadcast %mul3A_401 : f32 to vector<243x256xf32>
    %mul3A_403 = arith.mulf %dot_general3A_400, %mul3A_402 : vector<243x256xf32>
    %get3A_404 = arith.constant 0 : index
    %get3A_405 = arith.constant 0 : index
    %get3A_406 = vector.load %arg2[%get3A_404, %get3A_405] : memref<256x256xf32, #tpu.memory_space<vmem>>, vector<256x256xf32>
    %dot_general3A_407 = arith.constant dense<0.000000e+00> : vector<243x256xf32>
    %dot_general3A_408 = tpu.matmul %mul3A_403, %get3A_406, %dot_general3A_407 {dimension_numbers = #tpu.dot_dimension_numbers<[1], [1], [0], [0], [0, 0, 1, 0], [], []>, transpose_lhs_hint = false} : vector<243x256xf32>, vector<256x256xf32>, vector<243x256xf32> -> vector<243x256xf32>
    %get3A_409 = arith.constant 0 : index
    %get3A_410 = arith.constant 0 : index
    %get3A_411 = vector.load %arg3[%get3A_409, %get3A_410] : memref<1x256xf32, #tpu.memory_space<vmem>>, vector<1x256xf32>
    %add3A_412 = vector.broadcast %get3A_411 : vector<1x256xf32> to vector<243x256xf32>
    %add3A_413 = arith.addf %dot_general3A_408, %add3A_412 : vector<243x256xf32>
    %reduce_sum3A_414 = arith.constant dense<0.000000e+00> : vector<243xf32>
    %reduce_sum3A_415 = vector.multi_reduction <add>, %add3A_413, %reduce_sum3A_414 [1] : vector<243x256xf32> to vector<243xf32>
    %broadcast_in_dim3A_416 = vector.shape_cast %reduce_sum3A_415 : vector<243xf32> to vector<243x1xf32>
    %div3A_417 = arith.constant 2.560000e+02 : f32
    %div3A_418 = vector.broadcast %div3A_417 : f32 to vector<243x1xf32>
    %div3A_419 = arith.divf %broadcast_in_dim3A_416, %div3A_418 : vector<243x1xf32>
    %sub3A_420 = vector.broadcast %div3A_419 : vector<243x1xf32> to vector<243x256xf32>
    %sub3A_421 = arith.subf %add3A_413, %sub3A_420 : vector<243x256xf32>
    %mul3A_422 = arith.mulf %sub3A_421, %sub3A_421 : vector<243x256xf32>
    %reduce_sum3A_423 = arith.constant dense<0.000000e+00> : vector<243xf32>
    %reduce_sum3A_424 = vector.multi_reduction <add>, %mul3A_422, %reduce_sum3A_423 [1] : vector<243x256xf32> to vector<243xf32>
    %broadcast_in_dim3A_425 = vector.shape_cast %reduce_sum3A_424 : vector<243xf32> to vector<243x1xf32>
    %div3A_426 = arith.constant 2.560000e+02 : f32
    %div3A_427 = vector.broadcast %div3A_426 : f32 to vector<243x1xf32>
    %div3A_428 = arith.divf %broadcast_in_dim3A_425, %div3A_427 : vector<243x1xf32>
    %add3A_429 = arith.constant 9.99999974E-6 : f32
    %add3A_430 = vector.broadcast %add3A_429 : f32 to vector<243x1xf32>
    %add3A_431 = arith.addf %div3A_428, %add3A_430 : vector<243x1xf32>
    %rsqrt3A_432 = math.rsqrt %add3A_431 : vector<243x1xf32>
    %mul3A_433 = vector.broadcast %rsqrt3A_432 : vector<243x1xf32> to vector<243x256xf32>
    %mul3A_434 = arith.mulf %sub3A_421, %mul3A_433 : vector<243x256xf32>
    %get3A_435 = arith.constant 0 : index
    %get3A_436 = arith.constant 0 : index
    %get3A_437 = vector.load %arg8[%get3A_435, %get3A_436] : memref<1x256xf32, #tpu.memory_space<vmem>>, vector<1x256xf32>
    %mul3A_438 = vector.broadcast %get3A_437 : vector<1x256xf32> to vector<243x256xf32>
    %mul3A_439 = arith.mulf %mul3A_434, %mul3A_438 : vector<243x256xf32>
    %get3A_440 = arith.constant 0 : index
    %get3A_441 = arith.constant 0 : index
    %get3A_442 = vector.load %arg9[%get3A_440, %get3A_441] : memref<1x256xf32, #tpu.memory_space<vmem>>, vector<1x256xf32>
    %add3A_443 = vector.broadcast %get3A_442 : vector<1x256xf32> to vector<243x256xf32>
    %add3A_444 = arith.addf %mul3A_439, %add3A_443 : vector<243x256xf32>
    %get3A_445 = arith.constant 0 : index
    %get3A_446 = arith.constant 0 : index
    %get3A_447 = vector.load %arg4[%get3A_445, %get3A_446] : memref<512x256xf32, #tpu.memory_space<vmem>>, vector<512x256xf32>
    %dot_general3A_448 = arith.constant dense<0.000000e+00> : vector<243x512xf32>
    %dot_general3A_449 = tpu.matmul %add3A_444, %get3A_447, %dot_general3A_448 {dimension_numbers = #tpu.dot_dimension_numbers<[1], [1], [0], [0], [0, 0, 1, 0], [], []>, transpose_lhs_hint = false} : vector<243x256xf32>, vector<512x256xf32>, vector<243x512xf32> -> vector<243x512xf32>
    %get3A_450 = arith.constant 0 : index
    %get3A_451 = arith.constant 0 : index
    %get3A_452 = vector.load %arg5[%get3A_450, %get3A_451] : memref<1x512xf32, #tpu.memory_space<vmem>>, vector<1x512xf32>
    %add3A_453 = vector.broadcast %get3A_452 : vector<1x512xf32> to vector<243x512xf32>
    %add3A_454 = arith.addf %dot_general3A_449, %add3A_453 : vector<243x512xf32>
    %max3A_455 = arith.constant 0.000000e+00 : f32
    %max3A_456 = vector.broadcast %max3A_455 : f32 to vector<243x512xf32>
    %max3A_457 = arith.maximumf %add3A_454, %max3A_456 : vector<243x512xf32>
    %get3A_458 = arith.constant 0 : index
    %get3A_459 = arith.constant 0 : index
    %get3A_460 = vector.load %arg6[%get3A_458, %get3A_459] : memref<256x512xf32, #tpu.memory_space<vmem>>, vector<256x512xf32>
    %dot_general3A_461 = arith.constant dense<0.000000e+00> : vector<243x256xf32>
    %dot_general3A_462 = tpu.matmul %max3A_457, %get3A_460, %dot_general3A_461 {dimension_numbers = #tpu.dot_dimension_numbers<[1], [1], [0], [0], [0, 0, 1, 0], [], []>, transpose_lhs_hint = false} : vector<243x512xf32>, vector<256x512xf32>, vector<243x256xf32> -> vector<243x256xf32>
    %get3A_463 = arith.constant 0 : index
    %get3A_464 = arith.constant 0 : index
    %get3A_465 = vector.load %arg7[%get3A_463, %get3A_464] : memref<1x256xf32, #tpu.memory_space<vmem>>, vector<1x256xf32>
    %add3A_466 = vector.broadcast %get3A_465 : vector<1x256xf32> to vector<243x256xf32>
    %add3A_467 = arith.addf %dot_general3A_462, %add3A_466 : vector<243x256xf32>
    %swap3A_468 = arith.constant 2 : index
    %swap3A_469 = arith.constant 0 : index
    %swap3A_470 = arith.constant 0 : index
    %swap3A_471 = vector.load %arg10[%swap3A_468, %swap3A_469, %swap3A_470] : memref<4x243x256xf32, #tpu.memory_space<vmem>>, vector<1x243x256xf32>
    %swap3A_472 = vector.shape_cast %swap3A_471 : vector<1x243x256xf32> to vector<243x256xf32>
    %swap3A_473 = vector.shape_cast %add3A_467 : vector<243x256xf32> to vector<1x243x256xf32>
    tpu.vector_store %arg10[%swap3A_468, %swap3A_469, %swap3A_470], %swap3A_473 {strides = array<i32>} : memref<4x243x256xf32, #tpu.memory_space<vmem>>, vector<1x243x256xf32>,
    %get3A_474 = arith.constant 3 : index
    %get3A_475 = arith.constant 0 : index
    %get3A_476 = arith.constant 0 : index
    %get3A_477 = vector.load %arg1[%get3A_474, %get3A_475, %get3A_476] : memref<4x243x256xf32, #tpu.memory_space<vmem>>, vector<1x243x256xf32>
    %get3A_478 = vector.shape_cast %get3A_477 : vector<1x243x256xf32> to vector<243x256xf32>
    %mul3A_479 = arith.mulf %get3A_478, %get3A_478 : vector<243x256xf32>
    %reduce_sum3A_480 = arith.constant dense<0.000000e+00> : vector<243xf32>
    %reduce_sum3A_481 = vector.multi_reduction <add>, %mul3A_479, %reduce_sum3A_480 [1] : vector<243x256xf32> to vector<243xf32>
    %broadcast_in_dim3A_482 = vector.shape_cast %reduce_sum3A_481 : vector<243xf32> to vector<243x1xf32>
    %sqrt3A_483 = math.sqrt %broadcast_in_dim3A_482 : vector<243x1xf32>
    %max3A_484 = arith.constant 9.99999996E-13 : f32
    %max3A_485 = vector.broadcast %max3A_484 : f32 to vector<243x1xf32>
    %max3A_486 = arith.maximumf %sqrt3A_483, %max3A_485 : vector<243x1xf32>
    %div3A_487 = arith.constant 1.000000e+00 : f32
    %div3A_488 = vector.broadcast %div3A_487 : f32 to vector<243x1xf32>
    %div3A_489 = arith.divf %div3A_488, %max3A_486 : vector<243x1xf32>
    %mul3A_490 = vector.broadcast %div3A_489 : vector<243x1xf32> to vector<243x256xf32>
    %mul3A_491 = arith.mulf %get3A_478, %mul3A_490 : vector<243x256xf32>
    %dot_general3A_492 = arith.constant dense<0.000000e+00> : vector<243x243xf32>
    %dot_general3A_493 = tpu.matmul %mul3A_491, %mul3A_491, %dot_general3A_492 {dimension_numbers = #tpu.dot_dimension_numbers<[1], [1], [0], [0], [0, 0, 1, 0], [], []>, transpose_lhs_hint = false} : vector<243x256xf32>, vector<243x256xf32>, vector<243x243xf32> -> vector<243x243xf32>
    %reduce_max3A_494 = arith.constant dense<0xFF800000> : vector<243xf32>
    %reduce_max3A_495 = vector.multi_reduction <maximumf>, %dot_general3A_493, %reduce_max3A_494 [1] : vector<243x243xf32> to vector<243xf32>
    %broadcast_in_dim3A_496 = vector.shape_cast %reduce_max3A_495 : vector<243xf32> to vector<243x1xf32>
    %ge3A_497 = vector.broadcast %broadcast_in_dim3A_496 : vector<243x1xf32> to vector<243x243xf32>
    %ge3A_498 = arith.cmpf oge, %dot_general3A_493, %ge3A_497 : vector<243x243xf32>
    %jit3A_499 = arith.constant 0xFF800000 : f32
    %broadcast_in_dim3A_500 = vector.broadcast %jit3A_499 : f32 to vector<243x243xf32>
    %select_n3A_501 = arith.select %ge3A_498, %broadcast_in_dim3A_500, %dot_general3A_493 : vector<243x243xi1>, vector<243x243xf32>
    %reduce_max3A_502 = arith.constant dense<0xFF800000> : vector<243xf32>
    %reduce_max3A_503 = vector.multi_reduction <maximumf>, %select_n3A_501, %reduce_max3A_502 [1] : vector<243x243xf32> to vector<243xf32>
    %broadcast_in_dim3A_504 = vector.shape_cast %reduce_max3A_503 : vector<243xf32> to vector<243x1xf32>
    %ge3A_505 = vector.broadcast %broadcast_in_dim3A_504 : vector<243x1xf32> to vector<243x243xf32>
    %ge3A_506 = arith.cmpf oge, %select_n3A_501, %ge3A_505 : vector<243x243xf32>
    %jit3A_507 = arith.constant 0xFF800000 : f32
    %broadcast_in_dim3A_508 = vector.broadcast %jit3A_507 : f32 to vector<243x243xf32>
    %select_n3A_509 = arith.select %ge3A_506, %broadcast_in_dim3A_508, %select_n3A_501 : vector<243x243xi1>, vector<243x243xf32>
    %reduce_max3A_510 = arith.constant dense<0xFF800000> : vector<243xf32>
    %reduce_max3A_511 = vector.multi_reduction <maximumf>, %select_n3A_509, %reduce_max3A_510 [1] : vector<243x243xf32> to vector<243xf32>
    %broadcast_in_dim3A_512 = vector.shape_cast %reduce_max3A_511 : vector<243xf32> to vector<243x1xf32>
    %ge3A_513 = vector.broadcast %broadcast_in_dim3A_512 : vector<243x1xf32> to vector<243x243xf32>
    %ge3A_514 = arith.cmpf oge, %select_n3A_509, %ge3A_513 : vector<243x243xf32>
    %jit3A_515 = arith.constant 0xFF800000 : f32
    %broadcast_in_dim3A_516 = vector.broadcast %jit3A_515 : f32 to vector<243x243xf32>
    %select_n3A_517 = arith.select %ge3A_514, %broadcast_in_dim3A_516, %select_n3A_509 : vector<243x243xi1>, vector<243x243xf32>
    %reduce_max3A_518 = arith.constant dense<0xFF800000> : vector<243xf32>
    %reduce_max3A_519 = vector.multi_reduction <maximumf>, %select_n3A_517, %reduce_max3A_518 [1] : vector<243x243xf32> to vector<243xf32>
    %broadcast_in_dim3A_520 = vector.shape_cast %reduce_max3A_519 : vector<243xf32> to vector<243x1xf32>
    %ge3A_521 = vector.broadcast %broadcast_in_dim3A_520 : vector<243x1xf32> to vector<243x243xf32>
    %ge3A_522 = arith.cmpf oge, %select_n3A_517, %ge3A_521 : vector<243x243xf32>
    %jit3A_523 = arith.constant 0xFF800000 : f32
    %broadcast_in_dim3A_524 = vector.broadcast %jit3A_523 : f32 to vector<243x243xf32>
    %select_n3A_525 = arith.select %ge3A_522, %broadcast_in_dim3A_524, %select_n3A_517 : vector<243x243xi1>, vector<243x243xf32>
    %reduce_max3A_526 = arith.constant dense<0xFF800000> : vector<243xf32>
    %reduce_max3A_527 = vector.multi_reduction <maximumf>, %select_n3A_525, %reduce_max3A_526 [1] : vector<243x243xf32> to vector<243xf32>
    %broadcast_in_dim3A_528 = vector.shape_cast %reduce_max3A_527 : vector<243xf32> to vector<243x1xf32>
    %ge3A_529 = vector.broadcast %broadcast_in_dim3A_528 : vector<243x1xf32> to vector<243x243xf32>
    %ge3A_530 = arith.cmpf oge, %select_n3A_525, %ge3A_529 : vector<243x243xf32>
    %jit3A_531 = arith.constant 0xFF800000 : f32
    %broadcast_in_dim3A_532 = vector.broadcast %jit3A_531 : f32 to vector<243x243xf32>
    %select_n3A_533 = arith.select %ge3A_530, %broadcast_in_dim3A_532, %select_n3A_525 : vector<243x243xi1>, vector<243x243xf32>
    %reduce_max3A_534 = arith.constant dense<0xFF800000> : vector<243xf32>
    %reduce_max3A_535 = vector.multi_reduction <maximumf>, %select_n3A_533, %reduce_max3A_534 [1] : vector<243x243xf32> to vector<243xf32>
    %broadcast_in_dim3A_536 = vector.shape_cast %reduce_max3A_535 : vector<243xf32> to vector<243x1xf32>
    %ge3A_537 = vector.broadcast %broadcast_in_dim3A_536 : vector<243x1xf32> to vector<243x243xf32>
    %ge3A_538 = arith.cmpf oge, %select_n3A_533, %ge3A_537 : vector<243x243xf32>
    %jit3A_539 = arith.constant 0xFF800000 : f32
    %broadcast_in_dim3A_540 = vector.broadcast %jit3A_539 : f32 to vector<243x243xf32>
    %select_n3A_541 = arith.select %ge3A_538, %broadcast_in_dim3A_540, %select_n3A_533 : vector<243x243xi1>, vector<243x243xf32>
    %reduce_max3A_542 = arith.constant dense<0xFF800000> : vector<243xf32>
    %reduce_max3A_543 = vector.multi_reduction <maximumf>, %select_n3A_541, %reduce_max3A_542 [1] : vector<243x243xf32> to vector<243xf32>
    %broadcast_in_dim3A_544 = vector.shape_cast %reduce_max3A_543 : vector<243xf32> to vector<243x1xf32>
    %ge3A_545 = vector.broadcast %broadcast_in_dim3A_544 : vector<243x1xf32> to vector<243x243xf32>
    %ge3A_546 = arith.cmpf oge, %select_n3A_541, %ge3A_545 : vector<243x243xf32>
    %jit3A_547 = arith.constant 0xFF800000 : f32
    %broadcast_in_dim3A_548 = vector.broadcast %jit3A_547 : f32 to vector<243x243xf32>
    %select_n3A_549 = arith.select %ge3A_546, %broadcast_in_dim3A_548, %select_n3A_541 : vector<243x243xi1>, vector<243x243xf32>
    %reduce_max3A_550 = arith.constant dense<0xFF800000> : vector<243xf32>
    %reduce_max3A_551 = vector.multi_reduction <maximumf>, %select_n3A_549, %reduce_max3A_550 [1] : vector<243x243xf32> to vector<243xf32>
    %broadcast_in_dim3A_552 = vector.shape_cast %reduce_max3A_551 : vector<243xf32> to vector<243x1xf32>
    %ge3A_553 = vector.broadcast %broadcast_in_dim3A_552 : vector<243x1xf32> to vector<243x243xf32>
    %ge3A_554 = arith.cmpf oge, %select_n3A_549, %ge3A_553 : vector<243x243xf32>
    %jit3A_555 = arith.constant 0xFF800000 : f32
    %broadcast_in_dim3A_556 = vector.broadcast %jit3A_555 : f32 to vector<243x243xf32>
    %select_n3A_557 = arith.select %ge3A_554, %broadcast_in_dim3A_556, %select_n3A_549 : vector<243x243xi1>, vector<243x243xf32>
    %eq3A_558 = arith.constant 0xFF800000 : f32
    %eq3A_559 = vector.broadcast %eq3A_558 : f32 to vector<243x243xf32>
    %eq3A_560 = arith.cmpf oeq, %select_n3A_557, %eq3A_559 : vector<243x243xf32>
    %convert_element_type3A_561 = arith.extui %eq3A_560 : vector<243x243xi1> to vector<243x243xi32>
    %convert_element_type3A_562 = arith.sitofp %convert_element_type3A_561 : vector<243x243xi32> to vector<243x243xf32>
    %dot_general3A_563 = arith.constant dense<0.000000e+00> : vector<243x256xf32>
    %dot_general3A_564 = tpu.matmul %convert_element_type3A_562, %get3A_478, %dot_general3A_563 {dimension_numbers = #tpu.dot_dimension_numbers<[1], [0], [0], [1], [0, 0, 1, 1], [], []>, transpose_lhs_hint = false} : vector<243x243xf32>, vector<243x256xf32>, vector<243x256xf32> -> vector<243x256xf32>
    %mul3A_565 = arith.constant 1.250000e-01 : f32
    %mul3A_566 = vector.broadcast %mul3A_565 : f32 to vector<243x256xf32>
    %mul3A_567 = arith.mulf %dot_general3A_564, %mul3A_566 : vector<243x256xf32>
    %get3A_568 = arith.constant 0 : index
    %get3A_569 = arith.constant 0 : index
    %get3A_570 = vector.load %arg2[%get3A_568, %get3A_569] : memref<256x256xf32, #tpu.memory_space<vmem>>, vector<256x256xf32>
    %dot_general3A_571 = arith.constant dense<0.000000e+00> : vector<243x256xf32>
    %dot_general3A_572 = tpu.matmul %mul3A_567, %get3A_570, %dot_general3A_571 {dimension_numbers = #tpu.dot_dimension_numbers<[1], [1], [0], [0], [0, 0, 1, 0], [], []>, transpose_lhs_hint = false} : vector<243x256xf32>, vector<256x256xf32>, vector<243x256xf32> -> vector<243x256xf32>
    %get3A_573 = arith.constant 0 : index
    %get3A_574 = arith.constant 0 : index
    %get3A_575 = vector.load %arg3[%get3A_573, %get3A_574] : memref<1x256xf32, #tpu.memory_space<vmem>>, vector<1x256xf32>
    %add3A_576 = vector.broadcast %get3A_575 : vector<1x256xf32> to vector<243x256xf32>
    %add3A_577 = arith.addf %dot_general3A_572, %add3A_576 : vector<243x256xf32>
    %reduce_sum3A_578 = arith.constant dense<0.000000e+00> : vector<243xf32>
    %reduce_sum3A_579 = vector.multi_reduction <add>, %add3A_577, %reduce_sum3A_578 [1] : vector<243x256xf32> to vector<243xf32>
    %broadcast_in_dim3A_580 = vector.shape_cast %reduce_sum3A_579 : vector<243xf32> to vector<243x1xf32>
    %div3A_581 = arith.constant 2.560000e+02 : f32
    %div3A_582 = vector.broadcast %div3A_581 : f32 to vector<243x1xf32>
    %div3A_583 = arith.divf %broadcast_in_dim3A_580, %div3A_582 : vector<243x1xf32>
    %sub3A_584 = vector.broadcast %div3A_583 : vector<243x1xf32> to vector<243x256xf32>
    %sub3A_585 = arith.subf %add3A_577, %sub3A_584 : vector<243x256xf32>
    %mul3A_586 = arith.mulf %sub3A_585, %sub3A_585 : vector<243x256xf32>
    %reduce_sum3A_587 = arith.constant dense<0.000000e+00> : vector<243xf32>
    %reduce_sum3A_588 = vector.multi_reduction <add>, %mul3A_586, %reduce_sum3A_587 [1] : vector<243x256xf32> to vector<243xf32>
    %broadcast_in_dim3A_589 = vector.shape_cast %reduce_sum3A_588 : vector<243xf32> to vector<243x1xf32>
    %div3A_590 = arith.constant 2.560000e+02 : f32
    %div3A_591 = vector.broadcast %div3A_590 : f32 to vector<243x1xf32>
    %div3A_592 = arith.divf %broadcast_in_dim3A_589, %div3A_591 : vector<243x1xf32>
    %add3A_593 = arith.constant 9.99999974E-6 : f32
    %add3A_594 = vector.broadcast %add3A_593 : f32 to vector<243x1xf32>
    %add3A_595 = arith.addf %div3A_592, %add3A_594 : vector<243x1xf32>
    %rsqrt3A_596 = math.rsqrt %add3A_595 : vector<243x1xf32>
    %mul3A_597 = vector.broadcast %rsqrt3A_596 : vector<243x1xf32> to vector<243x256xf32>
    %mul3A_598 = arith.mulf %sub3A_585, %mul3A_597 : vector<243x256xf32>
    %get3A_599 = arith.constant 0 : index
    %get3A_600 = arith.constant 0 : index
    %get3A_601 = vector.load %arg8[%get3A_599, %get3A_600] : memref<1x256xf32, #tpu.memory_space<vmem>>, vector<1x256xf32>
    %mul3A_602 = vector.broadcast %get3A_601 : vector<1x256xf32> to vector<243x256xf32>
    %mul3A_603 = arith.mulf %mul3A_598, %mul3A_602 : vector<243x256xf32>
    %get3A_604 = arith.constant 0 : index
    %get3A_605 = arith.constant 0 : index
    %get3A_606 = vector.load %arg9[%get3A_604, %get3A_605] : memref<1x256xf32, #tpu.memory_space<vmem>>, vector<1x256xf32>
    %add3A_607 = vector.broadcast %get3A_606 : vector<1x256xf32> to vector<243x256xf32>
    %add3A_608 = arith.addf %mul3A_603, %add3A_607 : vector<243x256xf32>
    %get3A_609 = arith.constant 0 : index
    %get3A_610 = arith.constant 0 : index
    %get3A_611 = vector.load %arg4[%get3A_609, %get3A_610] : memref<512x256xf32, #tpu.memory_space<vmem>>, vector<512x256xf32>
    %dot_general3A_612 = arith.constant dense<0.000000e+00> : vector<243x512xf32>
    %dot_general3A_613 = tpu.matmul %add3A_608, %get3A_611, %dot_general3A_612 {dimension_numbers = #tpu.dot_dimension_numbers<[1], [1], [0], [0], [0, 0, 1, 0], [], []>, transpose_lhs_hint = false} : vector<243x256xf32>, vector<512x256xf32>, vector<243x512xf32> -> vector<243x512xf32>
    %get3A_614 = arith.constant 0 : index
    %get3A_615 = arith.constant 0 : index
    %get3A_616 = vector.load %arg5[%get3A_614, %get3A_615] : memref<1x512xf32, #tpu.memory_space<vmem>>, vector<1x512xf32>
    %add3A_617 = vector.broadcast %get3A_616 : vector<1x512xf32> to vector<243x512xf32>
    %add3A_618 = arith.addf %dot_general3A_613, %add3A_617 : vector<243x512xf32>
    %max3A_619 = arith.constant 0.000000e+00 : f32
    %max3A_620 = vector.broadcast %max3A_619 : f32 to vector<243x512xf32>
    %max3A_621 = arith.maximumf %add3A_618, %max3A_620 : vector<243x512xf32>
    %get3A_622 = arith.constant 0 : index
    %get3A_623 = arith.constant 0 : index
    %get3A_624 = vector.load %arg6[%get3A_622, %get3A_623] : memref<256x512xf32, #tpu.memory_space<vmem>>, vector<256x512xf32>
    %dot_general3A_625 = arith.constant dense<0.000000e+00> : vector<243x256xf32>
    %dot_general3A_626 = tpu.matmul %max3A_621, %get3A_624, %dot_general3A_625 {dimension_numbers = #tpu.dot_dimension_numbers<[1], [1], [0], [0], [0, 0, 1, 0], [], []>, transpose_lhs_hint = false} : vector<243x512xf32>, vector<256x512xf32>, vector<243x256xf32> -> vector<243x256xf32>
    %get3A_627 = arith.constant 0 : index
    %get3A_628 = arith.constant 0 : index
    %get3A_629 = vector.load %arg7[%get3A_627, %get3A_628] : memref<1x256xf32, #tpu.memory_space<vmem>>, vector<1x256xf32>
    %add3A_630 = vector.broadcast %get3A_629 : vector<1x256xf32> to vector<243x256xf32>
    %add3A_631 = arith.addf %dot_general3A_626, %add3A_630 : vector<243x256xf32>
    %swap3A_632 = arith.constant 3 : index
    %swap3A_633 = arith.constant 0 : index
    %swap3A_634 = arith.constant 0 : index
    %swap3A_635 = vector.load %arg10[%swap3A_632, %swap3A_633, %swap3A_634] : memref<4x243x256xf32, #tpu.memory_space<vmem>>, vector<1x243x256xf32>
    %swap3A_636 = vector.shape_cast %swap3A_635 : vector<1x243x256xf32> to vector<243x256xf32>
    %swap3A_637 = vector.shape_cast %add3A_631 : vector<243x256xf32> to vector<1x243x256xf32>
    tpu.vector_store %arg10[%swap3A_632, %swap3A_633, %swap3A_634], %swap3A_637 {strides = array<i32>} : memref<4x243x256xf32, #tpu.memory_space<vmem>>, vector<1x243x256xf32>,
    return
  }
  func.func @transform_0(%arg0: i32) -> (i32, i32, i32) {
    %c0_i32 = arith.constant 0 : i32
    %c0_i32_0 = arith.constant 0 : i32
    %c0_i32_1 = arith.constant 0 : i32
    return %arg0, %c0_i32, %c0_i32_0 : i32, i32, i32
  }
  func.func @transform_1(%arg0: i32) -> (i32, i32) {
    %c0_i32 = arith.constant 0 : i32
    %c0_i32_0 = arith.constant 0 : i32
    %c0_i32_1 = arith.constant 0 : i32
    return %c0_i32, %c0_i32_0 : i32, i32
  }
  func.func @transform_2(%arg0: i32) -> (i32, i32) {
    %c0_i32 = arith.constant 0 : i32
    %c0_i32_0 = arith.constant 0 : i32
    %c0_i32_1 = arith.constant 0 : i32
    return %c0_i32, %c0_i32_0 : i32, i32
  }
  func.func @transform_3(%arg0: i32) -> (i32, i32) {
    %c0_i32 = arith.constant 0 : i32
    %c0_i32_0 = arith.constant 0 : i32
    %c0_i32_1 = arith.constant 0 : i32
    return %c0_i32, %c0_i32_0 : i32, i32
  }
  func.func @transform_4(%arg0: i32) -> (i32, i32) {
    %c0_i32 = arith.constant 0 : i32
    %c0_i32_0 = arith.constant 0 : i32
    %c0_i32_1 = arith.constant 0 : i32
    return %c0_i32, %c0_i32_0 : i32, i32
  }
  func.func @transform_5(%arg0: i32) -> (i32, i32) {
    %c0_i32 = arith.constant 0 : i32
    %c0_i32_0 = arith.constant 0 : i32
    %c0_i32_1 = arith.constant 0 : i32
    return %c0_i32, %c0_i32_0 : i32, i32
  }
  func.func @transform_6(%arg0: i32) -> (i32, i32) {
    %c0_i32 = arith.constant 0 : i32
    %c0_i32_0 = arith.constant 0 : i32
    %c0_i32_1 = arith.constant 0 : i32
    return %c0_i32, %c0_i32_0 : i32, i32
  }
  func.func @transform_7(%arg0: i32) -> (i32, i32) {
    %c0_i32 = arith.constant 0 : i32
    %c0_i32_0 = arith.constant 0 : i32
    %c0_i32_1 = arith.constant 0 : i32
    return %c0_i32, %c0_i32_0 : i32, i32
  }
  func.func @transform_8(%arg0: i32) -> (i32, i32) {
    %c0_i32 = arith.constant 0 : i32
    %c0_i32_0 = arith.constant 0 : i32
    %c0_i32_1 = arith.constant 0 : i32
    return %c0_i32, %c0_i32_0 : i32, i32
  }
  func.func @transform_9(%arg0: i32) -> (i32, i32, i32) {
    %c0_i32 = arith.constant 0 : i32
    %c0_i32_0 = arith.constant 0 : i32
    %c0_i32_1 = arith.constant 0 : i32
    return %arg0, %c0_i32, %c0_i32_0 : i32, i32, i32
  }
}

</mosaic_0001>

<sc_bundles>
// kernel: sparse-core-data-format-call.cloned.1.call-start
scs
called_computation_lowered:
.L_overlay_start_0:
0x0: {  	s2 =	sld [smem:$0x3FD9]  }
0x1: {  	s3 =	sld [smem:$0x3FFE];
	_ =	sdelay $0x1  }
0x2: {  	s1 =	srdreg.scid  }
0x3: {  	s0 =	sand.u32 $0x1, s1  }
0x4: {  	s18 =	sshll.u32 s0, $0xA;
	s2 =	sadd.s32 s3, s2  }
0x5: {  	s2 =	sadd.s32 s2, s18  }
0x6: {  	[smem:$0x3FBF] =	sst s2  }
0x7: {  	_ = 	snop  }
0x8: {  	s2 =	sld [smem:$0x3FD0];
	(tm) =	ssettm $0x1  }
0x9: {  	s19 =	sld [smem:$0x3FFB];
	_ =	sdelay $0x3  }
0xa: {  	_ =	strace s19  }
0xb: {  	s3 =	sld [smem:$0x3FFC];
	_ =	sdelay $0x3  }
0xc: {  	_ =	strace s3  }
0xd: {  	s3 =	sld [smem:$0x3FFD];
	_ =	sdelay $0x3  }
0xe: {  	_ =	strace s3  }
0xf: {  	_ =	strace $0x8FFFFFFF  }
0x10: {  	s20 =	sld [smem:$0x3FDB];
	_ =	sdelay $0x1  }
0x11: {  	s4 =	simm.s32 $_scs_section_size  }
0x12: {  	s5 =	simm.s32 $_size__tile_overlayer_lowered;
	s6 =	simm.s32 $_tile_overlayer_lowered  }
0x13: {  	s23 =	simm.s32 $0x1BFF;
	s22 =	sshll.u32 s6, $0x1;
	s3 =	sadd.s32 s4, s20  }
0x14: {  	s7 =	simm.s32 $0x0;
	s21 =	sshll.u32 s5, $0x1;
	s5 =	sadd.s32 s22, s3  }
0x15: {  	[timem:s7], [sflag:s23] =	dma.local [hbm:s5], s21  }
0x16: {  	_ =	swait.ge [sflag:s23], s21  }
0x17: {  	s4 =	ssub.s32 $0x0, s21;
	[sflag:s23] =	ssyncset.done $0x0  }
0x18: {  	[sflag:s23] =	ssyncadd.s32 s4;
	_ =	sdelay $0x1  }
0x19: {  	s24 =	simm.s32 $0x1B8B  }
0x1a: {  	_ =	swait.ge [sflag:s24], $0x1  }
0x1b: {  	[sflag:s24] =	ssyncset.done $0x0  }
0x1c: {  	s26 =	simm.s32 $0x1B8E;
	s25 =	sld [smem:$0x3FFE];
	[sflag:s24] =	ssyncadd.s32 $0xFFFFFFFF  }
0x1d: {  	s27 =	simm.s32 $execute0_lowered;
	[smem:$0x3FD2] =	sst s26  }
0x1e: {  	s5 =	sshll.u32 s27, $0x1;
	_ =	strace $0x80000046;
	[dreg:$0x1] =	wrdreg $0xFFFFFFFF  }
0x1f: {  	s28 =	simm.s32 $_size_execute0_lowered;
	s3 =	sadd.s32 s3, s5;
	[dreg:$0x0] =	wrdreg $0x0  }
0x20: {  	s5 =	sshll.u32 s28, $0x1;
	[dreg:$0x2] =	wrdreg s3  }
0x21: {  	[dreg:$0x3] =	wrdreg s5  }
0x22: {  	[dreg:$0x4] =	wrdreg $0xC0  }
0x23: {  	_ =	task [dreg:s7], $0x5FFFF  }
0x24: {  	[dreg:$0x1] =	wrdreg $0xFFFFFFFF  }
0x25: {  	[dreg:$0x0] =	wrdreg $0x60  }
0x26: {  	[dreg:$0x2] =	wrdreg s25  }
0x27: {  	[dreg:$0x3] =	wrdreg s2  }
0x28: {  	[dreg:$0x4] =	wrdreg $0x9  }
0x29: {  	_ =	task.clear_ibuf [dreg:s7], $0x5FFFF;
	_ =	strace $0x90000046  }
0x2a: {  	s29 =	simm.s32 $0x9;
	_ =	strace $0x80000048  }
0x2b: {  	_ =	swait.ge [sflag:s29], $0x1  }
0x2c: {  	[sflag:s29] =	ssyncadd.s32 $0xFFFFFFFF  }
0x2d: {  	_ =	strace $0x90000048  }
0x2e: {  	_ =	sfence  }
0x2f: {  	s30 =	sld [smem:$0x0];
	_ =	sdelay $0x2  }
0x30: {  	s31 =	sshll.u32 s1, $0xD;
	s1 =	sshrl.u32 s1, $0x2  }
0x31: {  	s3 =	sand.u32 $0x4000, s31;
	s1 =	sadd.s32 s1, s30  }
0x32: {  	s0 =	sor.u32 s3, s0;
	s1 =	sshll.u32 s1, $0x11  }
0x33: {  	s0 =	sor.u32 s1, s0  }
0x34: {  	s0 =	sadd.s32 $0x8F2B, s0  }
0x35: {  	[sflag:s0] =	ssyncadd.remote.s32 $0x1  }
0x36: {  	_ =	sfence.sel $0xFFFF  }
0x37: {  	[dreg:$0x0] =	wrdreg $0xFFFFFFFF;
	(pc) =	sbr.abs _section_cstart, $3  }
0x38: {  	[dreg:$0x1] =	wrdreg $0xFFFFFFFF  }
0x39: {  	_ =	task.clear_ibuf [dreg:s7], $0x2FFFF;
	_ =	strace $0x9FFFFFFF  }
0x3a: {  	(tm) =	ssettm $0x7FFFFFFF  }
0x3b: {  	_ =	shalt  }
tec
execute0_lowered:
.L_overlay_start_1:
0x0: {  	(tag) =	ssettag $0x1  }
0x1: {  	s0 =	srdreg.scid;
	s1 =	rddreg [dreg:$0x0];
	_ =	strace $0x80000047  }
0x2: {  	s5 =	simm.s32 $0x1;
	s2 =	stileid.u32;
	s31 =	simm.s32 $0x2  }
0x3: {  	s19 =	simm.s32 $0x0;
	s9 =	simm.s32 $0x1800;
	s10 =	simm.s32 $0x0  }
0x4: {  	s18 =	simm.s32 $0x0;
	s20 =	simm.s32 $0x0;
	s0 =	sshll.u32 s0, $0x3  }
0x5: {  	s11 =	simm.s32 $0x0;
	s12 =	simm.s32 $0x0;
	s3 =	sand.u32 $0x8, s0  }
.Ltmp0:
0x6: {  	s13 =	simm.s32 $0x0;
	s0 =	ssub.s32 $0xF0, s3;
	(pc) =	sbr.rel .LBB1_1-.Ltmp0, $4  }
0x7: {  	s15 =	simm.s32 $0x0;
	s16 =	stileid.u32;
	s0 =	sshrl.u32 s0, $0x4  }
0x8: {  	s17 =	simm.s32 $0x0;
	[sflag:s5] =	ssyncpa.u1 $0x0;
	s0 =	smul.u32 $0x3, s0  }
0x9: {  	s26 =	simm.s32 $0x0;
	s4 =	sadd.s32 $0x2E9400, s1;
	[sflag:s31] =	ssyncpa.u1 $0x0  }
0xa: {  	s14 =	smov.u32 s3;
	s6 =	sadd.s32 $0x3, s0;
	s7 =	sadd.s32 $0x4, s0  }
.LBB1_7:
0xb: {  	p0 =	slt.u32 s17, $0x2;
	s0 =	smov.u32 s20  }
0xc: {  	s8 =	smov.u32 s19;
	p1 =	sgt.s32 @!p0 s20, $0xF;
	s1 =	sshra.s32 @!p0 s20, $0x1F  }
0xd: {  	p2 =	sgt.s32 @!p0 s18, $0x10;
	p1 =	por !p1, p0;
	s1 =	sand.u32 @!p0 s1, s20  }
0xe: {  	p2 =	por !p2, p0;
	s20 =	sshra.s32 @!p0 s18, $0x1F;
	s0 =	simm.s32 @p1 $0xF  }
0xf: {  	p1 =	sgt.s32 @!p0 s19, $0xEB;
	s0 =	ssub.s32 @!p0 s0, s1;
	s1 =	sshra.s32 @!p0 s19, $0x1F  }
0x10: {  	p1 =	por !p1, p0;
	s1 =	sand.u32 @!p0 s1, s19;
	s19 =	smov.u32 s18  }
0x11: {  	s8 =	simm.s32 @p1 $0xEB;
	s18 =	sand.u32 @!p0 s20, s18;
	s19 =	simm.s32 @p2 $0x10  }
0x12: {  	s0 =	sadd.s32 @!p0 $0xFFFFFFF1, s0;
	s1 =	ssub.s32 @!p0 s8, s1;
	s8 =	ssub.s32 @!p0 s19, s18  }
0x13: {  	p1 =	sgt.s32 @!p0 s0, $0x0;
	s0 =	sshll.u32 @!p0 s0, $0x8;
	s19 =	sadd.s32 @!p0 $0xFFFFFFF0, s8  }
0x14: {  	s18 =	sadd.s32 @!p0 $0xFFFFFF15, s1;
	s0 =	ssub.s32 @!p0 $0x100, s0;
	p2 =	sgt.s32 @!p0 s19, $0x7  }
0x15: {  	p1 =	por !p1, p0;
	s8 =	ssub.s32 @!p0 $0x18, s8;
	p2 =	por !p2, p0  }
0x16: {  	s0 =	simm.s32 @!p1 $0x0;
	s8 =	simm.s32 @!p2 $0x0;
	p2 =	sgt.s32 @!p0 s18, $0x7  }
0x17: {  	s1 =	ssub.s32 @!p0 $0xF3, s1;
	p1 =	por !p2, p0;
	s0 =	smul.u32 @!p0 s8, s0  }
0x18: {  	s1 =	simm.s32 @!p1 $0x0  }
0x19: {  	s0 =	smul.u32 @!p0 s1, s0;
	s1 =	sadd.s32 $0x10, s14  }
0x1a: {  	s21 =	smov.u32 s15;
	s8 =	sadd.s32 $0x8, s15;
	p1 =	sgt.s32 s1, $0xF2  }
0x1b: {  	s21 =	smov.u32 @p1 s8  }
0x1c: {  	s23 =	smov.u32 s16;
	s8 =	sadd.s32 $0x10, s16;
	p2 =	sgt.s32 s21, $0x17  }
0x1d: {  	s10 =	sadd.s32 $0x4000, s10;
	s22 =	simm.s32 @!p0 $0x2;
	s23 =	smov.u32 @p2 s8  }
0x1e: {  	s20 =	smov.u32 s13;
	s1 =	smov.u32 @p1 s3;
	p1 =	sgt.s32 s23, $0xF  }
0x1f: {  	s13 =	smov.u32 s16;
	s23 =	smov.u32 @p1 s2;
	p1 =	sne.s32 s17, s7  }
.Ltmp1:
0x20: {  	s19 =	smov.u32 s11;
	s0 =	sand.u32 @!p0 $0x3FFFFF00, s0;
	(pc) =	sbr.rel @!p1 .LBB1_8-.Ltmp1, $4  }
0x21: {  	s11 =	smov.u32 s14;
	s18 =	smov.u32 s12;
	_ =	swait.ge @!p0 [sflag:s22], s0  }
0x22: {  	s12 =	smov.u32 s15;
	s0 =	ssub.s32 @!p0 $0x0, s0;
	[sflag:s22] =	ssyncset.done @!p0 $0x0  }
0x23: {  	s14 =	smov.u32 s1;
	s21 =	simm.s32 @p2 $0x0;
	[sflag:s22] =	ssyncadd.s32 @!p0 s0  }
0x24: {  	s15 =	smov.u32 s21;
	s17 =	sadd.s32 $0x1, s17;
	s16 =	smov.u32 s23  }
.LBB1_1:
0x25: {  	p0 =	sge.u32 s17, s6  }
0x26: {  	s0 =	sshll.u32 @!p0 s14, $0x8;
	s1 =	sshll.u32 @!p0 s14, $0x7  }
0x27: {  	s0 =	sand.u32 @!p0 $0xFFFFF800, s0;
	s1 =	sand.u32 @!p0 $0x300, s1  }
0x28: {  	s0 =	sor.u32 @!p0 s1, s0  }
0x29: {  	s0 =	sshrl.u32 @!p0 s0, $0x8  }
0x2a: {  	s1 =	smulhi.u32 @!p0 $0x1084211, s0  }
0x2b: {  	s8 =	smul.u32 @!p0 $0x2E800, s16  }
0x2c: {  	s1 =	smul.u32 @!p0 $0xF8, s1  }
0x2d: {  	s21 =	sxor.u32 @!p0 $0xFFFFFFFF, s17;
	s22 =	smul.u32 @!p0 $0x1F00, s15  }
0x2e: {  	s8 =	sadd.s32 @!p0 s4, s8;
	s0 =	ssub.s32 @!p0 s0, s1;
	s1 =	sshll.u32 @!p0 s14, $0x4  }
0x2f: {  	s21 =	sshll.u32 @!p0 s21, $0xE;
	s8 =	sadd.s32 @!p0 s22, s8;
	s1 =	sand.u32 @!p0 $0x10, s1  }
0x30: {  	s21 =	sand.u32 @!p0 $0x4000, s21;
	s0 =	sshll.u32 @!p0 s0, $0x5;
	s1 =	sadd.s32 @!p0 s1, s8  }
0x31: {  	s8 =	simm.s32 @!p0 $0xF800;
	s0 =	sadd.s32 @!p0 s0, s1;
	s1 =	simm.s32 @!p0 $0x800  }
0x32: {  	[tilespmem:s21], [sflag:$0x1] =	stream.strided.gather @!p0 [hbm4b:s0+s1], $0x4000, s8, s1, $0x38;
	[tilespmem:$0x10000] =	vst v63  }
0x33: {  	p0 =	seq.s32 s17, $0x0  }
0x34: {  	p1 =	sge.u32 @!p0 s17, s7  }
0x35: {  	p0 =	por p0, p1  }
.Ltmp2:
0x36: {  	_ = 	snop;
	(pc) =	sbr.rel @p0 .LBB1_7-.Ltmp2, $1  }
0x37: {  	_ =	sdelay $0x3  }
0x38: {  	s0 =	sshll.u32 s10, $0x2;
	_ =	swait.ge [sflag:s5], $0x4000;
	s1 =	sshll.u32 s17, $0xE  }
0x39: {  	p0 =	por $0x0, $0x0;
	s27 =	simm.s32 $0x0;
	s28 =	simm.s32 $0x0  }
0x3a: {  	s0 =	sand.u32 $0x10000, s0;
	[sflag:s5] =	ssyncset.done $0x0;
	s24 =	sand.u32 $0x4000, s1  }
0x3b: {  	s0 =	sshrl.u32 s0, $0x2;
	[sflag:s5] =	ssyncadd.s32 $0xFFFFC000;
	s21 =	sor.u32 $0x8000, s24  }
0x3c: {  	s22 =	sor.u32 $0x40, s0;
	s23 =	sor.u32 $0x8410, s0;
	s25 =	sadd.s32 $0x8400, s0  }
.LBB1_3:
0x3d: {  	v1 =	vld [tilespmem:s22+$0xFFFFFFD0]  }
0x3e: {  	v2 =	vld [tilespmem:s22+$0x430]  }
0x3f: {  	s0 =	sshll.u32 s28, $0xB;
	v4 =	vld [tilespmem:s22+$0xFFFFFFE0]  }
0x40: {  	v7 =	vld [tilespmem:s22+$0xFFFFFFF0];
	v0 =	vmov s0  }
0x41: {  	v8 =	vld [tilespmem:s22+$0x0]  }
0x42: {  	s8 =	sand.u32 $0x300, s26;
	v9 =	vld [tilespmem:s22+$0x10]  }
0x43: {  	s1 =	sand.u32 $0x80, s26;
	v10 =	vld [tilespmem:s22+$0x20];
	s0 =	sadd.s32 s8, s24  }
0x44: {  	v11 =	vld [tilespmem:s22+$0x30];
	s0 =	sadd.s32 s1, s0;
	s1 =	simm.s32 $0x1;
	[tilespmem:s23+$0x60] =	vst v2  }
0x45: {  	s8 =	sshll.u32 s27, $0x2;
	s1 =	simm.s32 @!p0 $0x0;
	[tilespmem:s23+$0xFFFFFC00] =	vst v1;
	v3 =	vld.idx.msk [tilespmem:v0+s0+$0x400 ss:$0x1], $0xffff  }
0x46: {  	v6 =	vld [tilespmem:s22+$0x3D0];
	s1 =	sshll.u32 s1, $0x9;
	[tilespmem:s23+$0xFFFFFC10] =	vst v4;
	s0 =	sand.u32 $0xFFFFFC00, s8  }
0x47: {  	v5 =	vld [tilespmem:s22+$0x3E0];
	[tilespmem:s23+$0xFFFFFC20] =	vst v7;
	s0 =	sor.u32 s1, s0  }
0x48: {  	[tilespmem:s23+$0xFFFFFC30] =	vst v8;
	v4 =	vld [tilespmem:s22+$0x400];
	s0 =	sshrl.u32 s0, $0x2  }
0x49: {  	[tilespmem:s23+$0xFFFFFC40] =	vst v9;
	v1 =	vld [tilespmem:s22+$0x410];
	s29 =	sadd.s32 s0, s25  }
0x4a: {  	[tilespmem:s29+$0x0] =	vst v3;
	v3 =	vld [tilespmem:s22+$0x3F0]  }
0x4b: {  	s30 =	sadd.s32 $0x80, s22;
	[tilespmem:s23+$0xFFFFFC50] =	vst v10;
	v2 =	vld [tilespmem:s22+$0x420];
	s1 =	simm.s32 $0x80  }
0x4c: {  	s31 =	smov.u32 s23;
	v7 =	vld [tilespmem:s22+$0xFFFFFFC0];
	[tilespmem:s23+$0xFFFFFC60] =	vst v11;
	s8 =	sand.u32 $0x300, s1;
	s0 =	simm.s32 $0x100  }
.LBB1_4:
0x4d: {  	p1 =	sne.s32 s0, $0x380;
	v8 =	vld [tilespmem:s30+$0xFFFFFFD0];
	s1 =	sand.u32 $0x80, s1;
	s8 =	sadd.s32 s8, s24;
	[tilespmem:s31+$0x0] =	vst v6  }
0x4e: {  	s8 =	sadd.s32 s1, s8;
	v6 =	vld [tilespmem:s30+$0x430];
	[tilespmem:s31+$0x10] =	vst v5;
	s1 =	smov.u32 s0  }
0x4f: {  	v5 =	vld.idx.msk [tilespmem:v0+s8+$0x400 ss:$0x1], $0xffff;
	[tilespmem:s31+$0x20] =	vst v3  }
0x50: {  	v3 =	vld [tilespmem:s30+$0xFFFFFFE0];
	[tilespmem:s31+$0x30] =	vst v4  }
0x51: {  	v4 =	vld [tilespmem:s30+$0xFFFFFFF0];
	[tilespmem:s31+$0xFFFFFBF0] =	vst v7  }
0x52: {  	v7 =	vld [tilespmem:s30+$0x0];
	[tilespmem:s31+$0x40] =	vst v1  }
0x53: {  	v1 =	vld [tilespmem:s30+$0x10];
	[tilespmem:s31+$0x50] =	vst v2;
	s31 =	sadd.s32 $0x800, s31  }
0x54: {  	s29 =	sadd.s32 $0x800, s29;
	v2 =	vld [tilespmem:s30+$0x20];
	[tilespmem:s31+$0x60] =	vst v6  }
0x55: {  	v9 =	vld [tilespmem:s30+$0x30];
	[tilespmem:s29+$0x0] =	vst v5  }
0x56: {  	[tilespmem:s31+$0xFFFFFC00] =	vst v8;
	v6 =	vld [tilespmem:s30+$0x3D0]  }
0x57: {  	[tilespmem:s31+$0xFFFFFC10] =	vst v3;
	v5 =	vld [tilespmem:s30+$0x3E0]  }
.Ltmp3:
0x58: {  	[tilespmem:s31+$0xFFFFFC20] =	vst v4;
	v3 =	vld [tilespmem:s30+$0x3F0];
	(pc) =	sbr.rel @p1 .LBB1_4-.Ltmp3, $4  }
0x59: {  	[tilespmem:s31+$0xFFFFFC30] =	vst v7;
	v4 =	vld [tilespmem:s30+$0x400]  }
0x5a: {  	[tilespmem:s31+$0xFFFFFC40] =	vst v1;
	v1 =	vld [tilespmem:s30+$0x410]  }
0x5b: {  	[tilespmem:s31+$0xFFFFFC50] =	vst v2;
	v2 =	vld [tilespmem:s30+$0x420]  }
0x5c: {  	s0 =	sadd.s32 $0x80, s0;
	s8 =	sand.u32 $0x300, s1;
	v7 =	vld [tilespmem:s30+$0xFFFFFFC0];
	[tilespmem:s31+$0xFFFFFC60] =	vst v9;
	s30 =	sadd.s32 $0x80, s30  }
0x5d: {  	[tilespmem:s31+$0x0] =	vst v6  }
0x5e: {  	[tilespmem:s31+$0x10] =	vst v5  }
0x5f: {  	v49 =	vld [tilespmem:s30+$0x430];
	[tilespmem:s31+$0x20] =	vst v3  }
0x60: {  	v50 =	vld [tilespmem:s30+$0xFFFFFFD0];
	[tilespmem:s31+$0x30] =	vst v4  }
0x61: {  	v51 =	vld [tilespmem:s30+$0xFFFFFFE0];
	[tilespmem:s31+$0x40] =	vst v1  }
0x62: {  	s0 =	sand.u32 $0x80, s1;
	s8 =	sadd.s32 s8, s24;
	v52 =	vld [tilespmem:s30+$0xFFFFFFF0];
	[tilespmem:s31+$0x50] =	vst v2  }
0x63: {  	v53 =	vld [tilespmem:s30+$0x0];
	s0 =	sadd.s32 s0, s8;
	s8 =	sadd.s32 $0x800, s31;
	[tilespmem:s31+$0xFFFFFBF0] =	vst v7  }
0x64: {  	v54 =	vld [tilespmem:s30+$0x10];
	[tilespmem:s8+$0x60] =	vst v49  }
0x65: {  	v55 =	vld [tilespmem:s30+$0x20];
	[tilespmem:s8+$0xFFFFFC00] =	vst v50  }
0x66: {  	v56 =	vld [tilespmem:s30+$0x30];
	[tilespmem:s8+$0xFFFFFC10] =	vst v51  }
0x67: {  	v57 =	vld [tilespmem:s30+$0x3D0];
	[tilespmem:s8+$0xFFFFFC20] =	vst v52  }
0x68: {  	v58 =	vld [tilespmem:s30+$0x3E0];
	[tilespmem:s8+$0xFFFFFC30] =	vst v53  }
0x69: {  	v59 =	vld [tilespmem:s30+$0x3F0];
	[tilespmem:s8+$0xFFFFFC40] =	vst v54  }
0x6a: {  	v60 =	vld [tilespmem:s30+$0x400];
	[tilespmem:s8+$0xFFFFFC50] =	vst v55  }
0x6b: {  	v61 =	vld [tilespmem:s30+$0xFFFFFFC0];
	[tilespmem:s8+$0xFFFFFC60] =	vst v56  }
0x6c: {  	v62 =	vld [tilespmem:s30+$0x410];
	[tilespmem:s8+$0x0] =	vst v57  }
0x6d: {  	v63 =	vld [tilespmem:s30+$0x420];
	s28 =	sadd.s32 $0x1, s28;
	[tilespmem:s8+$0x10] =	vst v58  }
0x6e: {  	p1 =	sne.s32 s28, $0x8;
	v0 =	vld.idx.msk [tilespmem:v0+s0+$0x400 ss:$0x1], $0xffff;
	[tilespmem:s8+$0x20] =	vst v59  }
.Ltmp4:
0x6f: {  	[tilespmem:s8+$0x30] =	vst v60;
	(pc) =	sbr.rel @p1 .LBB1_3-.Ltmp4, $4  }
0x70: {  	[tilespmem:s8+$0xFFFFFBF0] =	vst v61  }
0x71: {  	[tilespmem:s8+$0x40] =	vst v62  }
0x72: {  	s22 =	sadd.s32 $0x800, s22;
	s31 =	sadd.s32 $0x800, s29;
	[tilespmem:s8+$0x50] =	vst v63  }
0x73: {  	s27 =	sadd.s32 $0x80, s27;
	p0 =	por !p0, !p0;
	s23 =	sadd.s32 $0x80, s23;
	[tilespmem:s31+$0x0] =	vst v0  }
0x74: {  	s0 =	sshll.u32 s12, $0x8;
	s1 =	sshll.u32 s12, $0x7  }
0x75: {  	p0 =	sgt.s32 s13, $0xF;
	s22 =	sshra.s32 s13, $0x1F;
	s23 =	smov.u32 s12  }
0x76: {  	s24 =	sshra.s32 s12, $0x1F;
	p1 =	sgt.s32 s11, $0xEB;
	s27 =	smul.u32 $0x2D900, s13  }
0x77: {  	s31 =	sshra.s32 s11, $0x1F;
	s28 =	smul.u32 $0x300, s11;
	s0 =	sand.u32 $0xFFFFF800, s0  }
0x78: {  	s1 =	sand.u32 $0x300, s1;
	s22 =	sand.u32 s22, s13;
	s29 =	sand.u32 s24, s12  }
0x79: {  	s24 =	sand.u32 s31, s11;
	s0 =	sor.u32 s1, s0;
	s1 =	smov.u32 s13  }
0x7a: {  	s0 =	sshrl.u32 s0, $0x8;
	s1 =	simm.s32 @!p0 $0xF;
	p0 =	sgt.s32 s12, $0x10  }
0x7b: {  	s8 =	smulhi.u32 $0xAAAAAAB, s0;
	s1 =	ssub.s32 s1, s22;
	s23 =	simm.s32 @!p0 $0x10  }
0x7c: {  	s1 =	sadd.s32 $0xFFFFFFF1, s1;
	s22 =	ssub.s32 s23, s29;
	s23 =	smov.u32 s11  }
0x7d: {  	s29 =	sshll.u32 s12, $0x4;
	s8 =	smul.u32 $0x18, s8;
	p0 =	sgt.s32 s1, $0x0  }
0x7e: {  	s30 =	sadd.s32 $0xFFFFFFF0, s22;
	s23 =	simm.s32 @!p1 $0xEB;
	s1 =	sshll.u32 s1, $0x8  }
0x7f: {  	s22 =	ssub.s32 $0x18, s22;
	p1 =	sgt.s32 s30, $0x7;
	s1 =	ssub.s32 $0x100, s1  }
0x80: {  	s23 =	ssub.s32 s23, s24;
	s22 =	simm.s32 @p1 $0x0;
	s1 =	simm.s32 @p0 $0x0  }
0x81: {  	s0 =	ssub.s32 s0, s8;
	s25 =	sadd.s32 $0xFFFFFF15, s23;
	s8 =	ssub.s32 $0xF3, s23  }
0x82: {  	s1 =	smul.u32 s22, s1;
	p0 =	sgt.s32 s25, $0x7;
	s25 =	rddreg [dreg:$0x1]  }
.Ltmp5:
0x83: {  	s8 =	simm.s32 @p0 $0x0;
	s22 =	sadd.s32 s25, s27;
	(pc) =	sbr.rel .LBB1_7-.Ltmp5, $4  }
0x84: {  	s30 =	sand.u32 $0x10, s29;
	s1 =	smul.u32 s8, s1;
	s22 =	sadd.s32 s28, s22  }
0x85: {  	s0 =	sshll.u32 s0, $0x5;
	s8 =	sadd.s32 s30, s22  }
0x86: {  	s31 =	simm.s32 $0x800;
	s1 =	sand.u32 $0x3FFFFF00, s1;
	s0 =	sadd.s32 s0, s8  }
0x87: {  	[hbm4b:s0+s31] =	stream.strided.scatter [tilespmem:s21], [sflag:$0x2], s1, s9, s31, $0x38;
	[tilespmem:$0x10000] =	vst v63  }
.LBB1_8:
0x88: {  	_ =	sfence.sel $0x180000  }
0x89: {  	s0 =	simm.s32 $0x1;
	[bflag:$0x0] =	sbarrier.arrive $0xFFFF  }
0x8a: {  	s31 =	simm.s32 $0x2;
	[sflag:s0] =	ssyncpa.u1 $0x1  }
0x8b: {  	[sflag:s31] =	ssyncpa.u1 $0x1  }
0x8c: {  	_ =	strace $0x90000047  }
0x8d: {  	[bflag:$0x2] =	sbarrier.arrive $0xFFFF  }
0x8e: {  	p0 =	sne.s32 s2, $0x0;
	s0 =	rddreg [dreg:$0x2]  }
0x8f: {  	s0 =	sadd.s32 @!p0 $0x100000, s0  }
0x90: {  	[sflag:s0] =	ssyncadd.tile.s32 @!p0 $0x1;
	_ =	shalt  }
.Lfunc_end1:
_tile_overlayer_lowered:
.L_overlay_start_2:
0x91: {  	(tag) =	ssettag $0x2  }
0x92: {  	s0 =	rddreg [dreg:$0x0];
	s2 =	stileid.u32  }
0x93: {  	s1 =	rddreg [dreg:$0x1];
	p0 =	sne.s32 s2, $0x0  }
0x94: {  	s3 =	rddreg [dreg:$0x2];
	[bflag:$0x3] =	sbarrier.arrive $0xFFFF;
	s2 =	simm.s32 @!p0 $0x1C01  }
0x95: {  	[timem:s3], [sflag:s2] =	dma.local @!p0 [hbm:s0], s1  }
0x96: {  	s0 =	simm.s32 @!p0 $0x1  }
0x97: {  	_ =	swait.ge @!p0 [sflag:s0], s1  }
0x98: {  	s1 =	ssub.s32 @!p0 $0x0, s1;
	[sflag:s0] =	ssyncset.done @!p0 $0x0  }
0x99: {  	[sflag:s0] =	ssyncadd.s32 @!p0 s1  }
0x9a: {  	[bflag:$0x3] =	sbarrier.arrive $0xFFFF  }
0x9b: {  	_ =	shalt  }

</sc_bundles>
